<compile_context>
chip_gen: v7x
topology: tpu7x:2x2x1
jax: 0.10.2.dev20260603
libtpu: 0.0.44.dev20260713+nightly
codegen_flags: <defaults>
</compile_context>

<pallas_src>
import functools

import jax
import jax.numpy as jnp
from jax import lax
from jax.experimental import pallas as pl
from jax.experimental.pallas import tpu as pltpu
from jax.experimental.pallas import tpu_sc as plsc

NC = 2
NS = 16
NW = NC * NS

Q_LEN = 2048
V_LEN = 2048
D = 32
VOCAB = 257
MAX_POS = (VOCAB - 1) // 2

BT_COLS = 4224
MID = Q_LEN - MAX_POS
SHIFT_COLS = 4096
ROWS_PER_W = Q_LEN // NW


def _shifted_bands(embT):

  COPIES_PER_STEP = 16

  def body(embT_ref, out_ref, bandT):
    g = pl.program_id(0)

    @pl.when(g == 0)
    def _build():
      col0 = embT_ref[:, 0:1]
      bandT[:, 0:MID] = jnp.broadcast_to(col0, (D, MID))
      bandT[:, MID:MID + VOCAB - 1] = embT_ref[:, 0:VOCAB - 1]
      col_last = embT_ref[:, VOCAB - 1:VOCAB]
      bandT[:, MID + VOCAB - 1:BT_COLS] = jnp.broadcast_to(
          col_last, (D, BT_COLS - (MID + VOCAB - 1)))

    for r in range(COPIES_PER_STEP):
      s = g * COPIES_PER_STEP + r
      rolled = pltpu.roll(bandT[:, :], (BT_COLS - s) % BT_COLS, axis=1)
      out_ref[r] = rolled[:, 0:SHIFT_COLS]

  return pl.pallas_call(
      body,
      grid=(128 // COPIES_PER_STEP,),
      in_specs=[pl.BlockSpec((D, VOCAB), lambda g: (0, 0))],
      out_specs=pl.BlockSpec((COPIES_PER_STEP, D, SHIFT_COLS),
                             lambda g: (g, 0, 0)),
      out_shape=jax.ShapeDtypeStruct((128, D, SHIFT_COLS), jnp.float32),
      scratch_shapes=[pltpu.VMEM((D, BT_COLS), jnp.float32)],
  )(embT)


def _band_expand(mt):
  mesh = plsc.VectorSubcoreMesh(core_axis_name="c", subcore_axis_name="s",
                                num_cores=NC)

  CHUNK = V_LEN // 4
  NBUF = 7
  PREF = NBUF - 2
  STEPS = ROWS_PER_W * 4

  @functools.partial(
      pl.kernel,
      mesh=mesh,
      out_type=jax.ShapeDtypeStruct((Q_LEN, D, V_LEN), jnp.float32),
      scratch_types=[
          pltpu.VMEM((NBUF, D, CHUNK), jnp.float32),
          pltpu.SemaphoreType.DMA,
          pltpu.SemaphoreType.DMA,
      ],
  )
  def k(mt_ref, out_hbm, bufs, in_sem, out_sem):
    wid = lax.axis_index("s") * NC + lax.axis_index("c")
    row0 = wid * ROWS_PER_W

    def addr(kstep):
      r = kstep // 4
      h = kstep % 4
      i = row0 + r
      c = Q_LEN - i
      s = lax.rem(c, 128)
      c_al = pl.multiple_of(c - s, 128)
      return i, s, c_al + h * CHUNK, h * CHUNK

    def start_in(kstep):
      i, s, src_c, _ = addr(kstep)
      pltpu.async_copy(
          mt_ref.at[s, :, pl.ds(src_c, CHUNK)],
          bufs.at[kstep % NBUF],
          in_sem,
      )

    def wait_in():
      pltpu.make_async_copy(
          mt_ref.at[0, :, pl.ds(0, CHUNK)], bufs.at[0], in_sem).wait()

    def start_out(kstep):
      i, _, _, dst_c = addr(kstep)
      pltpu.async_copy(
          bufs.at[kstep % NBUF],
          out_hbm.at[i, :, pl.ds(dst_c, CHUNK)],
          out_sem,
      )

    def wait_out():
      pltpu.make_async_copy(
          bufs.at[0], out_hbm.at[row0, :, pl.ds(0, CHUNK)], out_sem).wait()

    for kstep in range(PREF):
      start_in(kstep)

    def body(kstep, carry):
      wait_in()
      start_out(kstep)

      @pl.when(kstep >= NBUF - PREF)
      def _absorb():
        wait_out()

      @pl.when(kstep + PREF < STEPS)
      def _next():
        start_in(kstep + PREF)

      return carry

    lax.fori_loop(0, STEPS, body, 0)
    for _ in range(NBUF - PREF):
      wait_out()

  return k(mt)


def kernel(q, v, embeddings):
  del q, v
  out = _band_expand(_shifted_bands(embeddings.T))
  return jnp.transpose(out, (0, 2, 1))

# --- scband reference (transcript-rebuilt; emitter-appended) ---
"""Pipeline reference for scband-relative-position-embedding-17248588661436 (READ-ONLY COPY).

The authoritative reference and input builder live on the scoring server;
editing this copy changes nothing except your own understanding.
"""

import jax, jax.numpy as jnp
import numpy as np


def setup_inputs(seed: int = 0) -> dict:
    key = jax.random.key(seed)
    kq, kv, ke = jax.random.split(key, 3)
    q = jax.random.normal(kq, (1, 2048, 768), dtype=jnp.float32)
    v = jax.random.normal(kv, (1, 2048, 768), dtype=jnp.float32)
    embeddings = jax.random.normal(ke, (257, 32), dtype=jnp.float32) * 0.02
    return {"q": q, "v": v, "embeddings": embeddings}


def reference(q, v, embeddings):
    # compute_position_ids: relative positions clipped to window, shifted to be >= 0
    input_dim = embeddings.shape[0]
    q_len = q.shape[1]
    v_len = v.shape[1]
    q_idxs = jnp.arange(q_len, dtype=jnp.int32)[:, None]   # [q_len, 1]
    v_idxs = jnp.arange(v_len, dtype=jnp.int32)[None, :]   # [1, v_len]
    pos_ids = v_idxs - q_idxs                               # [q_len, v_len]
    max_position = (input_dim - 1) // 2
    pos_ids = jnp.clip(pos_ids, -max_position, max_position)
    pos_ids = pos_ids + max_position
    # K.gather(embeddings, pos_ids) -> [q_len, v_len, output_dim]
    return jnp.take(embeddings, pos_ids, axis=0)

if __name__ == "__main__":
    import jax
    _d = setup_inputs()
    print(jax.jit(kernel)(*tuple(_d.values())))

</pallas_src>

<mosaic_0001>
#map = affine_map<(d0, d1) -> (0, 0, 0)>
module attributes {stable_mosaic.version = 14 : i64} {
  func.func @k(%arg0: i32, %arg1: i32, %arg2: memref<128x32x4096xf32, #tpu.memory_space<hbm>>, %arg3: memref<2048x32x2048xf32, #tpu.memory_space<hbm>>, %arg4: memref<7x32x512xf32, #tpu.memory_space<vmem>>, %arg5: memref<!tpu.dma_semaphore, #tpu.memory_space<semaphore_mem>>, %arg6: memref<!tpu.dma_semaphore, #tpu.memory_space<semaphore_mem>>) attributes {dimension_semantics = [#tpu.dimension_semantics<core_parallel>, #tpu.dimension_semantics<subcore_parallel>], iteration_bounds = array<i64: 2, 16>, scalar_prefetch = 0 : i64, scratch_operands = 3 : i64, tpu.core_type = #tpu.core_type<sc_vector_subcore>, window_params = [{transform_indices = #map}, {transform_indices = #map}]} {
    %mul3A = arith.constant 2 : i32
    %mul3A_0 = arith.muli %arg1, %mul3A : i32
    %add3A = arith.addi %mul3A_0, %arg0 : i32
    %mul3A_1 = arith.constant 64 : i32
    %mul3A_2 = arith.muli %add3A, %mul3A_1 : i32
    %add3A_3 = arith.constant 0 : i32
    %add3A_4 = arith.addi %mul3A_2, %add3A_3 : i32
    %sub3A = arith.constant 2048 : i32
    %sub3A_5 = arith.subi %sub3A, %add3A_4 : i32
    %rem3A = arith.constant 128 : i32
    %rem3A_6 = arith.remsi %sub3A_5, %rem3A : i32
    %sub3A_7 = arith.subi %sub3A_5, %rem3A_6 : i32
    %multiple_of3A = tpu.assume_multiple %sub3A_7, 128 : i32
    %add3A_8 = arith.constant 0 : i32
    %add3A_9 = arith.addi %multiple_of3A, %add3A_8 : i32
    %dma_start3A = arith.constant 0 : i32
    %dma_start3A_10 = arith.constant 0 : i32
    %dma_start3A_11 = arith.constant 0 : i32
    %dma_start3A_12 = tpu.memref_slice %arg4[%dma_start3A, %dma_start3A_10, %dma_start3A_11] : memref<7x32x512xf32, #tpu.memory_space<vmem>> -> memref<1x32x512xf32, #tpu.memory_space<vmem>>
    %dma_start3A_13 = tpu.memref_squeeze %dma_start3A_12 : memref<1x32x512xf32, #tpu.memory_space<vmem>> -> memref<32x512xf32, #tpu.memory_space<vmem>>
    %dma_start3A_14 = arith.constant 0 : i32
    %dma_start3A_15 = tpu.memref_slice %arg2[%rem3A_6, %dma_start3A_14, %add3A_9] : memref<128x32x4096xf32, #tpu.memory_space<hbm>> -> memref<1x32x512xf32, #tpu.memory_space<hbm>>
    %dma_start3A_16 = tpu.memref_squeeze %dma_start3A_15 : memref<1x32x512xf32, #tpu.memory_space<hbm>> -> memref<32x512xf32, #tpu.memory_space<hbm>>
    %dma_start3A_17 = arith.constant 0 : i32
    %dma_start3A_18 = arith.constant 0 : i32
    %dma_start3A_19 = tpu.memref_slice %arg4[%dma_start3A, %dma_start3A_17, %dma_start3A_18] : memref<7x32x512xf32, #tpu.memory_space<vmem>> -> memref<1x32x512xf32, #tpu.memory_space<vmem>>
    %dma_start3A_20 = tpu.memref_squeeze %dma_start3A_19 : memref<1x32x512xf32, #tpu.memory_space<vmem>> -> memref<32x512xf32, #tpu.memory_space<vmem>>
    %dma_start3A_21 = arith.constant 0 : i32
    %dma_start3A_22 = tpu.memref_slice %arg2[%rem3A_6, %dma_start3A_21, %add3A_9] : memref<128x32x4096xf32, #tpu.memory_space<hbm>> -> memref<1x32x512xf32, #tpu.memory_space<hbm>>
    %dma_start3A_23 = tpu.memref_squeeze %dma_start3A_22 : memref<1x32x512xf32, #tpu.memory_space<hbm>> -> memref<32x512xf32, #tpu.memory_space<hbm>>
    tpu.enqueue_dma source(%dma_start3A_23 : memref<32x512xf32, #tpu.memory_space<hbm>>) target(%dma_start3A_20 : memref<32x512xf32, #tpu.memory_space<vmem>>) target_semaphore(%arg5 : memref<!tpu.dma_semaphore, #tpu.memory_space<semaphore_mem>>)
    %add3A_24 = arith.constant 0 : i32
    %add3A_25 = arith.addi %mul3A_2, %add3A_24 : i32
    %sub3A_26 = arith.constant 2048 : i32
    %sub3A_27 = arith.subi %sub3A_26, %add3A_25 : i32
    %rem3A_28 = arith.constant 128 : i32
    %rem3A_29 = arith.remsi %sub3A_27, %rem3A_28 : i32
    %sub3A_30 = arith.subi %sub3A_27, %rem3A_29 : i32
    %multiple_of3A_31 = tpu.assume_multiple %sub3A_30, 128 : i32
    %add3A_32 = arith.constant 512 : i32
    %add3A_33 = arith.addi %multiple_of3A_31, %add3A_32 : i32
    %dma_start3A_34 = arith.constant 1 : i32
    %dma_start3A_35 = arith.constant 0 : i32
    %dma_start3A_36 = arith.constant 0 : i32
    %dma_start3A_37 = tpu.memref_slice %arg4[%dma_start3A_34, %dma_start3A_35, %dma_start3A_36] : memref<7x32x512xf32, #tpu.memory_space<vmem>> -> memref<1x32x512xf32, #tpu.memory_space<vmem>>
    %dma_start3A_38 = tpu.memref_squeeze %dma_start3A_37 : memref<1x32x512xf32, #tpu.memory_space<vmem>> -> memref<32x512xf32, #tpu.memory_space<vmem>>
    %dma_start3A_39 = arith.constant 0 : i32
    %dma_start3A_40 = tpu.memref_slice %arg2[%rem3A_29, %dma_start3A_39, %add3A_33] : memref<128x32x4096xf32, #tpu.memory_space<hbm>> -> memref<1x32x512xf32, #tpu.memory_space<hbm>>
    %dma_start3A_41 = tpu.memref_squeeze %dma_start3A_40 : memref<1x32x512xf32, #tpu.memory_space<hbm>> -> memref<32x512xf32, #tpu.memory_space<hbm>>
    %dma_start3A_42 = arith.constant 0 : i32
    %dma_start3A_43 = arith.constant 0 : i32
    %dma_start3A_44 = tpu.memref_slice %arg4[%dma_start3A_34, %dma_start3A_42, %dma_start3A_43] : memref<7x32x512xf32, #tpu.memory_space<vmem>> -> memref<1x32x512xf32, #tpu.memory_space<vmem>>
    %dma_start3A_45 = tpu.memref_squeeze %dma_start3A_44 : memref<1x32x512xf32, #tpu.memory_space<vmem>> -> memref<32x512xf32, #tpu.memory_space<vmem>>
    %dma_start3A_46 = arith.constant 0 : i32
    %dma_start3A_47 = tpu.memref_slice %arg2[%rem3A_29, %dma_start3A_46, %add3A_33] : memref<128x32x4096xf32, #tpu.memory_space<hbm>> -> memref<1x32x512xf32, #tpu.memory_space<hbm>>
    %dma_start3A_48 = tpu.memref_squeeze %dma_start3A_47 : memref<1x32x512xf32, #tpu.memory_space<hbm>> -> memref<32x512xf32, #tpu.memory_space<hbm>>
    tpu.enqueue_dma source(%dma_start3A_48 : memref<32x512xf32, #tpu.memory_space<hbm>>) target(%dma_start3A_45 : memref<32x512xf32, #tpu.memory_space<vmem>>) target_semaphore(%arg5 : memref<!tpu.dma_semaphore, #tpu.memory_space<semaphore_mem>>)
    %add3A_49 = arith.constant 0 : i32
    %add3A_50 = arith.addi %mul3A_2, %add3A_49 : i32
    %sub3A_51 = arith.constant 2048 : i32
    %sub3A_52 = arith.subi %sub3A_51, %add3A_50 : i32
    %rem3A_53 = arith.constant 128 : i32
    %rem3A_54 = arith.remsi %sub3A_52, %rem3A_53 : i32
    %sub3A_55 = arith.subi %sub3A_52, %rem3A_54 : i32
    %multiple_of3A_56 = tpu.assume_multiple %sub3A_55, 128 : i32
    %add3A_57 = arith.constant 1024 : i32
    %add3A_58 = arith.addi %multiple_of3A_56, %add3A_57 : i32
    %dma_start3A_59 = arith.constant 2 : i32
    %dma_start3A_60 = arith.constant 0 : i32
    %dma_start3A_61 = arith.constant 0 : i32
    %dma_start3A_62 = tpu.memref_slice %arg4[%dma_start3A_59, %dma_start3A_60, %dma_start3A_61] : memref<7x32x512xf32, #tpu.memory_space<vmem>> -> memref<1x32x512xf32, #tpu.memory_space<vmem>>
    %dma_start3A_63 = tpu.memref_squeeze %dma_start3A_62 : memref<1x32x512xf32, #tpu.memory_space<vmem>> -> memref<32x512xf32, #tpu.memory_space<vmem>>
    %dma_start3A_64 = arith.constant 0 : i32
    %dma_start3A_65 = tpu.memref_slice %arg2[%rem3A_54, %dma_start3A_64, %add3A_58] : memref<128x32x4096xf32, #tpu.memory_space<hbm>> -> memref<1x32x512xf32, #tpu.memory_space<hbm>>
    %dma_start3A_66 = tpu.memref_squeeze %dma_start3A_65 : memref<1x32x512xf32, #tpu.memory_space<hbm>> -> memref<32x512xf32, #tpu.memory_space<hbm>>
    %dma_start3A_67 = arith.constant 0 : i32
    %dma_start3A_68 = arith.constant 0 : i32
    %dma_start3A_69 = tpu.memref_slice %arg4[%dma_start3A_59, %dma_start3A_67, %dma_start3A_68] : memref<7x32x512xf32, #tpu.memory_space<vmem>> -> memref<1x32x512xf32, #tpu.memory_space<vmem>>
    %dma_start3A_70 = tpu.memref_squeeze %dma_start3A_69 : memref<1x32x512xf32, #tpu.memory_space<vmem>> -> memref<32x512xf32, #tpu.memory_space<vmem>>
    %dma_start3A_71 = arith.constant 0 : i32
    %dma_start3A_72 = tpu.memref_slice %arg2[%rem3A_54, %dma_start3A_71, %add3A_58] : memref<128x32x4096xf32, #tpu.memory_space<hbm>> -> memref<1x32x512xf32, #tpu.memory_space<hbm>>
    %dma_start3A_73 = tpu.memref_squeeze %dma_start3A_72 : memref<1x32x512xf32, #tpu.memory_space<hbm>> -> memref<32x512xf32, #tpu.memory_space<hbm>>
    tpu.enqueue_dma source(%dma_start3A_73 : memref<32x512xf32, #tpu.memory_space<hbm>>) target(%dma_start3A_70 : memref<32x512xf32, #tpu.memory_space<vmem>>) target_semaphore(%arg5 : memref<!tpu.dma_semaphore, #tpu.memory_space<semaphore_mem>>)
    %add3A_74 = arith.constant 0 : i32
    %add3A_75 = arith.addi %mul3A_2, %add3A_74 : i32
    %sub3A_76 = arith.constant 2048 : i32
    %sub3A_77 = arith.subi %sub3A_76, %add3A_75 : i32
    %rem3A_78 = arith.constant 128 : i32
    %rem3A_79 = arith.remsi %sub3A_77, %rem3A_78 : i32
    %sub3A_80 = arith.subi %sub3A_77, %rem3A_79 : i32
    %multiple_of3A_81 = tpu.assume_multiple %sub3A_80, 128 : i32
    %add3A_82 = arith.constant 1536 : i32
    %add3A_83 = arith.addi %multiple_of3A_81, %add3A_82 : i32
    %dma_start3A_84 = arith.constant 3 : i32
    %dma_start3A_85 = arith.constant 0 : i32
    %dma_start3A_86 = arith.constant 0 : i32
    %dma_start3A_87 = tpu.memref_slice %arg4[%dma_start3A_84, %dma_start3A_85, %dma_start3A_86] : memref<7x32x512xf32, #tpu.memory_space<vmem>> -> memref<1x32x512xf32, #tpu.memory_space<vmem>>
    %dma_start3A_88 = tpu.memref_squeeze %dma_start3A_87 : memref<1x32x512xf32, #tpu.memory_space<vmem>> -> memref<32x512xf32, #tpu.memory_space<vmem>>
    %dma_start3A_89 = arith.constant 0 : i32
    %dma_start3A_90 = tpu.memref_slice %arg2[%rem3A_79, %dma_start3A_89, %add3A_83] : memref<128x32x4096xf32, #tpu.memory_space<hbm>> -> memref<1x32x512xf32, #tpu.memory_space<hbm>>
    %dma_start3A_91 = tpu.memref_squeeze %dma_start3A_90 : memref<1x32x512xf32, #tpu.memory_space<hbm>> -> memref<32x512xf32, #tpu.memory_space<hbm>>
    %dma_start3A_92 = arith.constant 0 : i32
    %dma_start3A_93 = arith.constant 0 : i32
    %dma_start3A_94 = tpu.memref_slice %arg4[%dma_start3A_84, %dma_start3A_92, %dma_start3A_93] : memref<7x32x512xf32, #tpu.memory_space<vmem>> -> memref<1x32x512xf32, #tpu.memory_space<vmem>>
    %dma_start3A_95 = tpu.memref_squeeze %dma_start3A_94 : memref<1x32x512xf32, #tpu.memory_space<vmem>> -> memref<32x512xf32, #tpu.memory_space<vmem>>
    %dma_start3A_96 = arith.constant 0 : i32
    %dma_start3A_97 = tpu.memref_slice %arg2[%rem3A_79, %dma_start3A_96, %add3A_83] : memref<128x32x4096xf32, #tpu.memory_space<hbm>> -> memref<1x32x512xf32, #tpu.memory_space<hbm>>
    %dma_start3A_98 = tpu.memref_squeeze %dma_start3A_97 : memref<1x32x512xf32, #tpu.memory_space<hbm>> -> memref<32x512xf32, #tpu.memory_space<hbm>>
    tpu.enqueue_dma source(%dma_start3A_98 : memref<32x512xf32, #tpu.memory_space<hbm>>) target(%dma_start3A_95 : memref<32x512xf32, #tpu.memory_space<vmem>>) target_semaphore(%arg5 : memref<!tpu.dma_semaphore, #tpu.memory_space<semaphore_mem>>)
    %add3A_99 = arith.constant 1 : i32
    %add3A_100 = arith.addi %mul3A_2, %add3A_99 : i32
    %sub3A_101 = arith.constant 2048 : i32
    %sub3A_102 = arith.subi %sub3A_101, %add3A_100 : i32
    %rem3A_103 = arith.constant 128 : i32
    %rem3A_104 = arith.remsi %sub3A_102, %rem3A_103 : i32
    %sub3A_105 = arith.subi %sub3A_102, %rem3A_104 : i32
    %multiple_of3A_106 = tpu.assume_multiple %sub3A_105, 128 : i32
    %add3A_107 = arith.constant 0 : i32
    %add3A_108 = arith.addi %multiple_of3A_106, %add3A_107 : i32
    %dma_start3A_109 = arith.constant 4 : i32
    %dma_start3A_110 = arith.constant 0 : i32
    %dma_start3A_111 = arith.constant 0 : i32
    %dma_start3A_112 = tpu.memref_slice %arg4[%dma_start3A_109, %dma_start3A_110, %dma_start3A_111] : memref<7x32x512xf32, #tpu.memory_space<vmem>> -> memref<1x32x512xf32, #tpu.memory_space<vmem>>
    %dma_start3A_113 = tpu.memref_squeeze %dma_start3A_112 : memref<1x32x512xf32, #tpu.memory_space<vmem>> -> memref<32x512xf32, #tpu.memory_space<vmem>>
    %dma_start3A_114 = arith.constant 0 : i32
    %dma_start3A_115 = tpu.memref_slice %arg2[%rem3A_104, %dma_start3A_114, %add3A_108] : memref<128x32x4096xf32, #tpu.memory_space<hbm>> -> memref<1x32x512xf32, #tpu.memory_space<hbm>>
    %dma_start3A_116 = tpu.memref_squeeze %dma_start3A_115 : memref<1x32x512xf32, #tpu.memory_space<hbm>> -> memref<32x512xf32, #tpu.memory_space<hbm>>
    %dma_start3A_117 = arith.constant 0 : i32
    %dma_start3A_118 = arith.constant 0 : i32
    %dma_start3A_119 = tpu.memref_slice %arg4[%dma_start3A_109, %dma_start3A_117, %dma_start3A_118] : memref<7x32x512xf32, #tpu.memory_space<vmem>> -> memref<1x32x512xf32, #tpu.memory_space<vmem>>
    %dma_start3A_120 = tpu.memref_squeeze %dma_start3A_119 : memref<1x32x512xf32, #tpu.memory_space<vmem>> -> memref<32x512xf32, #tpu.memory_space<vmem>>
    %dma_start3A_121 = arith.constant 0 : i32
    %dma_start3A_122 = tpu.memref_slice %arg2[%rem3A_104, %dma_start3A_121, %add3A_108] : memref<128x32x4096xf32, #tpu.memory_space<hbm>> -> memref<1x32x512xf32, #tpu.memory_space<hbm>>
    %dma_start3A_123 = tpu.memref_squeeze %dma_start3A_122 : memref<1x32x512xf32, #tpu.memory_space<hbm>> -> memref<32x512xf32, #tpu.memory_space<hbm>>
    tpu.enqueue_dma source(%dma_start3A_123 : memref<32x512xf32, #tpu.memory_space<hbm>>) target(%dma_start3A_120 : memref<32x512xf32, #tpu.memory_space<vmem>>) target_semaphore(%arg5 : memref<!tpu.dma_semaphore, #tpu.memory_space<semaphore_mem>>)
    %scan3A = arith.constant 0 : i32
    %scan3A_124 = arith.constant 0 : i32
    %scan3A_125 = arith.constant 256 : i32
    %scan3A_126 = arith.addi %scan3A_124, %scan3A_125 : i32
    %scan3A_127 = arith.constant 1 : i32
    scf.for %scan3A_162 = %scan3A_124 to %scan3A_126 step %scan3A_127  : i32 {
      %dma_wait3A_163 = arith.constant 0 : i32
      %dma_wait3A_164 = arith.constant 0 : i32
      %dma_wait3A_165 = arith.constant 0 : i32
      %dma_wait3A_166 = arith.constant 0 : i32
      %dma_wait3A_167 = tpu.memref_slice %arg4[%dma_wait3A_164, %dma_wait3A_165, %dma_wait3A_166] : memref<7x32x512xf32, #tpu.memory_space<vmem>> -> memref<1x32x512xf32, #tpu.memory_space<vmem>>
      %dma_wait3A_168 = tpu.memref_squeeze %dma_wait3A_167 : memref<1x32x512xf32, #tpu.memory_space<vmem>> -> memref<32x512xf32, #tpu.memory_space<vmem>>
      %dma_wait3A_169 = arith.constant 0 : i32
      %dma_wait3A_170 = arith.constant 0 : i32
      %dma_wait3A_171 = tpu.memref_slice %arg2[%dma_wait3A_163, %dma_wait3A_169, %dma_wait3A_170] : memref<128x32x4096xf32, #tpu.memory_space<hbm>> -> memref<1x32x512xf32, #tpu.memory_space<hbm>>
      %dma_wait3A_172 = tpu.memref_squeeze %dma_wait3A_171 : memref<1x32x512xf32, #tpu.memory_space<hbm>> -> memref<32x512xf32, #tpu.memory_space<hbm>>
      %dma_wait3A_173 = arith.constant 0 : i32
      %dma_wait3A_174 = arith.constant 0 : i32
      %dma_wait3A_175 = tpu.memref_slice %arg4[%dma_wait3A_164, %dma_wait3A_173, %dma_wait3A_174] : memref<7x32x512xf32, #tpu.memory_space<vmem>> -> memref<1x32x512xf32, #tpu.memory_space<vmem>>
      %dma_wait3A_176 = tpu.memref_squeeze %dma_wait3A_175 : memref<1x32x512xf32, #tpu.memory_space<vmem>> -> memref<32x512xf32, #tpu.memory_space<vmem>>
      %dma_wait3A_177 = arith.constant 0 : i32
      %dma_wait3A_178 = arith.constant 0 : i32
      %dma_wait3A_179 = tpu.memref_slice %arg2[%dma_wait3A_163, %dma_wait3A_177, %dma_wait3A_178] : memref<128x32x4096xf32, #tpu.memory_space<hbm>> -> memref<1x32x512xf32, #tpu.memory_space<hbm>>
      %dma_wait3A_180 = tpu.memref_squeeze %dma_wait3A_179 : memref<1x32x512xf32, #tpu.memory_space<hbm>> -> memref<32x512xf32, #tpu.memory_space<hbm>>
      tpu.wait_dma2 semaphore(%arg5 : memref<!tpu.dma_semaphore, #tpu.memory_space<semaphore_mem>>) src(%dma_wait3A_180 : memref<32x512xf32, #tpu.memory_space<hbm>>) dst(%dma_wait3A_176 : memref<32x512xf32, #tpu.memory_space<vmem>>)
      %jit3A = arith.constant 4 : i32
      %div3A = arith.divsi %scan3A_162, %jit3A : i32
      %sign3A = arith.constant 0 : i32
      %sign3A_181 = arith.cmpi sgt, %scan3A_162, %sign3A : i32
      %sign3A_182 = arith.extui %sign3A_181 : i1 to i32
      %sign3A_183 = arith.constant 0 : i32
      %sign3A_184 = arith.cmpi slt, %scan3A_162, %sign3A_183 : i32
      %sign3A_185 = arith.extui %sign3A_184 : i1 to i32
      %sign3A_186 = arith.subi %sign3A_182, %sign3A_185 : i32
      %sign3A_187 = arith.constant 0 : i32
      %sign3A_188 = arith.cmpi sgt, %jit3A, %sign3A_187 : i32
      %sign3A_189 = arith.extui %sign3A_188 : i1 to i32
      %sign3A_190 = arith.constant 0 : i32
      %sign3A_191 = arith.cmpi slt, %jit3A, %sign3A_190 : i32
      %sign3A_192 = arith.extui %sign3A_191 : i1 to i32
      %sign3A_193 = arith.subi %sign3A_189, %sign3A_192 : i32
      %ne3A = arith.cmpi ne, %sign3A_186, %sign3A_193 : i32
      %rem3A_194 = arith.remsi %scan3A_162, %jit3A : i32
      %ne3A_195 = arith.constant 0 : i32
      %ne3A_196 = arith.cmpi ne, %rem3A_194, %ne3A_195 : i32
      %and3A = arith.andi %ne3A, %ne3A_196 : i1
      %sub3A_197 = arith.constant 1 : i32
      %sub3A_198 = arith.subi %div3A, %sub3A_197 : i32
      %select_n3A = arith.select %and3A, %sub3A_198, %div3A : i32
      %jit3A_199 = arith.constant 4 : i32
      %eq3A = arith.constant 0 : i32
      %eq3A_200 = arith.cmpi eq, %jit3A_199, %eq3A : i32
      %jit3A_201 = arith.constant 1 : i32
      %select_n3A_202 = arith.select %eq3A_200, %jit3A_201, %jit3A_199 : i32
      %rem3A_203 = arith.remsi %scan3A_162, %select_n3A_202 : i32
      %ne3A_204 = arith.constant 0 : i32
      %ne3A_205 = arith.cmpi ne, %rem3A_203, %ne3A_204 : i32
      %lt3A = arith.constant 0 : i32
      %lt3A_206 = arith.cmpi slt, %rem3A_203, %lt3A : i32
      %lt3A_207 = arith.constant 0 : i32
      %lt3A_208 = arith.cmpi slt, %select_n3A_202, %lt3A_207 : i32
      %ne3A_209 = arith.xori %lt3A_206, %lt3A_208 : i1
      %and3A_210 = arith.andi %ne3A_209, %ne3A_205 : i1
      %add3A_211 = arith.addi %rem3A_203, %select_n3A_202 : i32
      %select_n3A_212 = arith.select %and3A_210, %add3A_211, %rem3A_203 : i32
      %add3A_213 = arith.addi %mul3A_2, %select_n3A : i32
      %sub3A_214 = arith.constant 2048 : i32
      %sub3A_215 = arith.subi %sub3A_214, %add3A_213 : i32
      %rem3A_216 = arith.constant 128 : i32
      %rem3A_217 = arith.remsi %sub3A_215, %rem3A_216 : i32
      %sub3A_218 = arith.subi %sub3A_215, %rem3A_217 : i32
      %multiple_of3A_219 = tpu.assume_multiple %sub3A_218, 128 : i32
      %mul3A_220 = arith.constant 512 : i32
      %mul3A_221 = arith.muli %select_n3A_212, %mul3A_220 : i32
      %add3A_222 = arith.addi %multiple_of3A_219, %mul3A_221 : i32
      %mul3A_223 = arith.constant 512 : i32
      %mul3A_224 = arith.muli %select_n3A_212, %mul3A_223 : i32
      %jit3A_225 = arith.constant 7 : i32
      %eq3A_226 = arith.constant 0 : i32
      %eq3A_227 = arith.cmpi eq, %jit3A_225, %eq3A_226 : i32
      %jit3A_228 = arith.constant 1 : i32
      %select_n3A_229 = arith.select %eq3A_227, %jit3A_228, %jit3A_225 : i32
      %rem3A_230 = arith.remsi %scan3A_162, %select_n3A_229 : i32
      %ne3A_231 = arith.constant 0 : i32
      %ne3A_232 = arith.cmpi ne, %rem3A_230, %ne3A_231 : i32
      %lt3A_233 = arith.constant 0 : i32
      %lt3A_234 = arith.cmpi slt, %rem3A_230, %lt3A_233 : i32
      %lt3A_235 = arith.constant 0 : i32
      %lt3A_236 = arith.cmpi slt, %select_n3A_229, %lt3A_235 : i32
      %ne3A_237 = arith.xori %lt3A_234, %lt3A_236 : i1
      %and3A_238 = arith.andi %ne3A_237, %ne3A_232 : i1
      %add3A_239 = arith.addi %rem3A_230, %select_n3A_229 : i32
      %select_n3A_240 = arith.select %and3A_238, %add3A_239, %rem3A_230 : i32
      %dma_start3A_241 = arith.constant 0 : i32
      %dma_start3A_242 = arith.constant 0 : i32
      %dma_start3A_243 = tpu.memref_slice %arg4[%select_n3A_240, %dma_start3A_241, %dma_start3A_242] : memref<7x32x512xf32, #tpu.memory_space<vmem>> -> memref<1x32x512xf32, #tpu.memory_space<vmem>>
      %dma_start3A_244 = tpu.memref_squeeze %dma_start3A_243 : memref<1x32x512xf32, #tpu.memory_space<vmem>> -> memref<32x512xf32, #tpu.memory_space<vmem>>
      %dma_start3A_245 = arith.constant 0 : i32
      %dma_start3A_246 = tpu.memref_slice %arg3[%add3A_213, %dma_start3A_245, %mul3A_224] : memref<2048x32x2048xf32, #tpu.memory_space<hbm>> -> memref<1x32x512xf32, #tpu.memory_space<hbm>>
      %dma_start3A_247 = tpu.memref_squeeze %dma_start3A_246 : memref<1x32x512xf32, #tpu.memory_space<hbm>> -> memref<32x512xf32, #tpu.memory_space<hbm>>
      %dma_start3A_248 = arith.constant 0 : i32
      %dma_start3A_249 = tpu.memref_slice %arg3[%add3A_213, %dma_start3A_248, %mul3A_224] : memref<2048x32x2048xf32, #tpu.memory_space<hbm>> -> memref<1x32x512xf32, #tpu.memory_space<hbm>>
      %dma_start3A_250 = tpu.memref_squeeze %dma_start3A_249 : memref<1x32x512xf32, #tpu.memory_space<hbm>> -> memref<32x512xf32, #tpu.memory_space<hbm>>
      %dma_start3A_251 = arith.constant 0 : i32
      %dma_start3A_252 = arith.constant 0 : i32
      %dma_start3A_253 = tpu.memref_slice %arg4[%select_n3A_240, %dma_start3A_251, %dma_start3A_252] : memref<7x32x512xf32, #tpu.memory_space<vmem>> -> memref<1x32x512xf32, #tpu.memory_space<vmem>>
      %dma_start3A_254 = tpu.memref_squeeze %dma_start3A_253 : memref<1x32x512xf32, #tpu.memory_space<vmem>> -> memref<32x512xf32, #tpu.memory_space<vmem>>
      tpu.enqueue_dma source(%dma_start3A_254 : memref<32x512xf32, #tpu.memory_space<vmem>>) target(%dma_start3A_250 : memref<32x512xf32, #tpu.memory_space<hbm>>) target_semaphore(%arg6 : memref<!tpu.dma_semaphore, #tpu.memory_space<semaphore_mem>>)
      %ge3A = arith.constant 2 : i32
      %ge3A_255 = arith.cmpi sge, %scan3A_162, %ge3A : i32
      %convert_element_type3A = arith.extui %ge3A_255 : i1 to i32
      %cond3A = arith.constant 0 : i32
      %cond3A_256 = arith.cmpi ne, %convert_element_type3A, %cond3A : i32
      scf.if %cond3A_256 {
        %dma_wait3A_264 = arith.constant 0 : i32
        %dma_wait3A_265 = arith.constant 0 : i32
        %dma_wait3A_266 = arith.constant 0 : i32
        %dma_wait3A_267 = tpu.memref_slice %arg4[%dma_wait3A_264, %dma_wait3A_265, %dma_wait3A_266] : memref<7x32x512xf32, #tpu.memory_space<vmem>> -> memref<1x32x512xf32, #tpu.memory_space<vmem>>
        %dma_wait3A_268 = tpu.memref_squeeze %dma_wait3A_267 : memref<1x32x512xf32, #tpu.memory_space<vmem>> -> memref<32x512xf32, #tpu.memory_space<vmem>>
        %dma_wait3A_269 = arith.constant 0 : i32
        %dma_wait3A_270 = arith.constant 0 : i32
        %dma_wait3A_271 = tpu.memref_slice %arg3[%mul3A_2, %dma_wait3A_269, %dma_wait3A_270] : memref<2048x32x2048xf32, #tpu.memory_space<hbm>> -> memref<1x32x512xf32, #tpu.memory_space<hbm>>
        %dma_wait3A_272 = tpu.memref_squeeze %dma_wait3A_271 : memref<1x32x512xf32, #tpu.memory_space<hbm>> -> memref<32x512xf32, #tpu.memory_space<hbm>>
        %dma_wait3A_273 = arith.constant 0 : i32
        %dma_wait3A_274 = arith.constant 0 : i32
        %dma_wait3A_275 = tpu.memref_slice %arg3[%mul3A_2, %dma_wait3A_273, %dma_wait3A_274] : memref<2048x32x2048xf32, #tpu.memory_space<hbm>> -> memref<1x32x512xf32, #tpu.memory_space<hbm>>
        %dma_wait3A_276 = tpu.memref_squeeze %dma_wait3A_275 : memref<1x32x512xf32, #tpu.memory_space<hbm>> -> memref<32x512xf32, #tpu.memory_space<hbm>>
        %dma_wait3A_277 = arith.constant 0 : i32
        %dma_wait3A_278 = arith.constant 0 : i32
        %dma_wait3A_279 = tpu.memref_slice %arg4[%dma_wait3A_264, %dma_wait3A_277, %dma_wait3A_278] : memref<7x32x512xf32, #tpu.memory_space<vmem>> -> memref<1x32x512xf32, #tpu.memory_space<vmem>>
        %dma_wait3A_280 = tpu.memref_squeeze %dma_wait3A_279 : memref<1x32x512xf32, #tpu.memory_space<vmem>> -> memref<32x512xf32, #tpu.memory_space<vmem>>
        tpu.wait_dma2 semaphore(%arg6 : memref<!tpu.dma_semaphore, #tpu.memory_space<semaphore_mem>>) src(%dma_wait3A_280 : memref<32x512xf32, #tpu.memory_space<vmem>>) dst(%dma_wait3A_276 : memref<32x512xf32, #tpu.memory_space<hbm>>)
      } else {
      }
      %add3A_257 = arith.constant 5 : i32
      %add3A_258 = arith.addi %scan3A_162, %add3A_257 : i32
      %lt3A_259 = arith.constant 256 : i32
      %lt3A_260 = arith.cmpi slt, %add3A_258, %lt3A_259 : i32
      %convert_element_type3A_261 = arith.extui %lt3A_260 : i1 to i32
      %cond3A_262 = arith.constant 0 : i32
      %cond3A_263 = arith.cmpi ne, %convert_element_type3A_261, %cond3A_262 : i32
      scf.if %cond3A_263 {
        %add3A_264 = arith.constant 5 : i32
        %add3A_265 = arith.addi %scan3A_162, %add3A_264 : i32
        %jit3A_266 = arith.constant 4 : i32
        %div3A_267 = arith.divsi %add3A_265, %jit3A_266 : i32
        %sign3A_268 = arith.constant 0 : i32
        %sign3A_269 = arith.cmpi sgt, %add3A_265, %sign3A_268 : i32
        %sign3A_270 = arith.extui %sign3A_269 : i1 to i32
        %sign3A_271 = arith.constant 0 : i32
        %sign3A_272 = arith.cmpi slt, %add3A_265, %sign3A_271 : i32
        %sign3A_273 = arith.extui %sign3A_272 : i1 to i32
        %sign3A_274 = arith.subi %sign3A_270, %sign3A_273 : i32
        %sign3A_275 = arith.constant 0 : i32
        %sign3A_276 = arith.cmpi sgt, %jit3A_266, %sign3A_275 : i32
        %sign3A_277 = arith.extui %sign3A_276 : i1 to i32
        %sign3A_278 = arith.constant 0 : i32
        %sign3A_279 = arith.cmpi slt, %jit3A_266, %sign3A_278 : i32
        %sign3A_280 = arith.extui %sign3A_279 : i1 to i32
        %sign3A_281 = arith.subi %sign3A_277, %sign3A_280 : i32
        %ne3A_282 = arith.cmpi ne, %sign3A_274, %sign3A_281 : i32
        %rem3A_283 = arith.remsi %add3A_265, %jit3A_266 : i32
        %ne3A_284 = arith.constant 0 : i32
        %ne3A_285 = arith.cmpi ne, %rem3A_283, %ne3A_284 : i32
        %and3A_286 = arith.andi %ne3A_282, %ne3A_285 : i1
        %sub3A_287 = arith.constant 1 : i32
        %sub3A_288 = arith.subi %div3A_267, %sub3A_287 : i32
        %select_n3A_289 = arith.select %and3A_286, %sub3A_288, %div3A_267 : i32
        %jit3A_290 = arith.constant 4 : i32
        %eq3A_291 = arith.constant 0 : i32
        %eq3A_292 = arith.cmpi eq, %jit3A_290, %eq3A_291 : i32
        %jit3A_293 = arith.constant 1 : i32
        %select_n3A_294 = arith.select %eq3A_292, %jit3A_293, %jit3A_290 : i32
        %rem3A_295 = arith.remsi %add3A_265, %select_n3A_294 : i32
        %ne3A_296 = arith.constant 0 : i32
        %ne3A_297 = arith.cmpi ne, %rem3A_295, %ne3A_296 : i32
        %lt3A_298 = arith.constant 0 : i32
        %lt3A_299 = arith.cmpi slt, %rem3A_295, %lt3A_298 : i32
        %lt3A_300 = arith.constant 0 : i32
        %lt3A_301 = arith.cmpi slt, %select_n3A_294, %lt3A_300 : i32
        %ne3A_302 = arith.xori %lt3A_299, %lt3A_301 : i1
        %and3A_303 = arith.andi %ne3A_302, %ne3A_297 : i1
        %add3A_304 = arith.addi %rem3A_295, %select_n3A_294 : i32
        %select_n3A_305 = arith.select %and3A_303, %add3A_304, %rem3A_295 : i32
        %add3A_306 = arith.addi %mul3A_2, %select_n3A_289 : i32
        %sub3A_307 = arith.constant 2048 : i32
        %sub3A_308 = arith.subi %sub3A_307, %add3A_306 : i32
        %rem3A_309 = arith.constant 128 : i32
        %rem3A_310 = arith.remsi %sub3A_308, %rem3A_309 : i32
        %sub3A_311 = arith.subi %sub3A_308, %rem3A_310 : i32
        %multiple_of3A_312 = tpu.assume_multiple %sub3A_311, 128 : i32
        %mul3A_313 = arith.constant 512 : i32
        %mul3A_314 = arith.muli %select_n3A_305, %mul3A_313 : i32
        %add3A_315 = arith.addi %multiple_of3A_312, %mul3A_314 : i32
        %mul3A_316 = arith.constant 512 : i32
        %mul3A_317 = arith.muli %select_n3A_305, %mul3A_316 : i32
        %jit3A_318 = arith.constant 7 : i32
        %eq3A_319 = arith.constant 0 : i32
        %eq3A_320 = arith.cmpi eq, %jit3A_318, %eq3A_319 : i32
        %jit3A_321 = arith.constant 1 : i32
        %select_n3A_322 = arith.select %eq3A_320, %jit3A_321, %jit3A_318 : i32
        %rem3A_323 = arith.remsi %add3A_265, %select_n3A_322 : i32
        %ne3A_324 = arith.constant 0 : i32
        %ne3A_325 = arith.cmpi ne, %rem3A_323, %ne3A_324 : i32
        %lt3A_326 = arith.constant 0 : i32
        %lt3A_327 = arith.cmpi slt, %rem3A_323, %lt3A_326 : i32
        %lt3A_328 = arith.constant 0 : i32
        %lt3A_329 = arith.cmpi slt, %select_n3A_322, %lt3A_328 : i32
        %ne3A_330 = arith.xori %lt3A_327, %lt3A_329 : i1
        %and3A_331 = arith.andi %ne3A_330, %ne3A_325 : i1
        %add3A_332 = arith.addi %rem3A_323, %select_n3A_322 : i32
        %select_n3A_333 = arith.select %and3A_331, %add3A_332, %rem3A_323 : i32
        %dma_start3A_334 = arith.constant 0 : i32
        %dma_start3A_335 = arith.constant 0 : i32
        %dma_start3A_336 = tpu.memref_slice %arg4[%select_n3A_333, %dma_start3A_334, %dma_start3A_335] : memref<7x32x512xf32, #tpu.memory_space<vmem>> -> memref<1x32x512xf32, #tpu.memory_space<vmem>>
        %dma_start3A_337 = tpu.memref_squeeze %dma_start3A_336 : memref<1x32x512xf32, #tpu.memory_space<vmem>> -> memref<32x512xf32, #tpu.memory_space<vmem>>
        %dma_start3A_338 = arith.constant 0 : i32
        %dma_start3A_339 = tpu.memref_slice %arg2[%rem3A_310, %dma_start3A_338, %add3A_315] : memref<128x32x4096xf32, #tpu.memory_space<hbm>> -> memref<1x32x512xf32, #tpu.memory_space<hbm>>
        %dma_start3A_340 = tpu.memref_squeeze %dma_start3A_339 : memref<1x32x512xf32, #tpu.memory_space<hbm>> -> memref<32x512xf32, #tpu.memory_space<hbm>>
        %dma_start3A_341 = arith.constant 0 : i32
        %dma_start3A_342 = arith.constant 0 : i32
        %dma_start3A_343 = tpu.memref_slice %arg4[%select_n3A_333, %dma_start3A_341, %dma_start3A_342] : memref<7x32x512xf32, #tpu.memory_space<vmem>> -> memref<1x32x512xf32, #tpu.memory_space<vmem>>
        %dma_start3A_344 = tpu.memref_squeeze %dma_start3A_343 : memref<1x32x512xf32, #tpu.memory_space<vmem>> -> memref<32x512xf32, #tpu.memory_space<vmem>>
        %dma_start3A_345 = arith.constant 0 : i32
        %dma_start3A_346 = tpu.memref_slice %arg2[%rem3A_310, %dma_start3A_345, %add3A_315] : memref<128x32x4096xf32, #tpu.memory_space<hbm>> -> memref<1x32x512xf32, #tpu.memory_space<hbm>>
        %dma_start3A_347 = tpu.memref_squeeze %dma_start3A_346 : memref<1x32x512xf32, #tpu.memory_space<hbm>> -> memref<32x512xf32, #tpu.memory_space<hbm>>
        tpu.enqueue_dma source(%dma_start3A_347 : memref<32x512xf32, #tpu.memory_space<hbm>>) target(%dma_start3A_344 : memref<32x512xf32, #tpu.memory_space<vmem>>) target_semaphore(%arg5 : memref<!tpu.dma_semaphore, #tpu.memory_space<semaphore_mem>>)
      } else {
      }
    }
    %scan3A_128 = arith.constant 256 : i32
    %dma_wait3A = arith.constant 0 : i32
    %dma_wait3A_129 = arith.constant 0 : i32
    %dma_wait3A_130 = arith.constant 0 : i32
    %dma_wait3A_131 = tpu.memref_slice %arg4[%dma_wait3A, %dma_wait3A_129, %dma_wait3A_130] : memref<7x32x512xf32, #tpu.memory_space<vmem>> -> memref<1x32x512xf32, #tpu.memory_space<vmem>>
    %dma_wait3A_132 = tpu.memref_squeeze %dma_wait3A_131 : memref<1x32x512xf32, #tpu.memory_space<vmem>> -> memref<32x512xf32, #tpu.memory_space<vmem>>
    %dma_wait3A_133 = arith.constant 0 : i32
    %dma_wait3A_134 = arith.constant 0 : i32
    %dma_wait3A_135 = tpu.memref_slice %arg3[%mul3A_2, %dma_wait3A_133, %dma_wait3A_134] : memref<2048x32x2048xf32, #tpu.memory_space<hbm>> -> memref<1x32x512xf32, #tpu.memory_space<hbm>>
    %dma_wait3A_136 = tpu.memref_squeeze %dma_wait3A_135 : memref<1x32x512xf32, #tpu.memory_space<hbm>> -> memref<32x512xf32, #tpu.memory_space<hbm>>
    %dma_wait3A_137 = arith.constant 0 : i32
    %dma_wait3A_138 = arith.constant 0 : i32
    %dma_wait3A_139 = tpu.memref_slice %arg3[%mul3A_2, %dma_wait3A_137, %dma_wait3A_138] : memref<2048x32x2048xf32, #tpu.memory_space<hbm>> -> memref<1x32x512xf32, #tpu.memory_space<hbm>>
    %dma_wait3A_140 = tpu.memref_squeeze %dma_wait3A_139 : memref<1x32x512xf32, #tpu.memory_space<hbm>> -> memref<32x512xf32, #tpu.memory_space<hbm>>
    %dma_wait3A_141 = arith.constant 0 : i32
    %dma_wait3A_142 = arith.constant 0 : i32
    %dma_wait3A_143 = tpu.memref_slice %arg4[%dma_wait3A, %dma_wait3A_141, %dma_wait3A_142] : memref<7x32x512xf32, #tpu.memory_space<vmem>> -> memref<1x32x512xf32, #tpu.memory_space<vmem>>
    %dma_wait3A_144 = tpu.memref_squeeze %dma_wait3A_143 : memref<1x32x512xf32, #tpu.memory_space<vmem>> -> memref<32x512xf32, #tpu.memory_space<vmem>>
    tpu.wait_dma2 semaphore(%arg6 : memref<!tpu.dma_semaphore, #tpu.memory_space<semaphore_mem>>) src(%dma_wait3A_144 : memref<32x512xf32, #tpu.memory_space<vmem>>) dst(%dma_wait3A_140 : memref<32x512xf32, #tpu.memory_space<hbm>>)
    %dma_wait3A_145 = arith.constant 0 : i32
    %dma_wait3A_146 = arith.constant 0 : i32
    %dma_wait3A_147 = arith.constant 0 : i32
    %dma_wait3A_148 = tpu.memref_slice %arg4[%dma_wait3A_145, %dma_wait3A_146, %dma_wait3A_147] : memref<7x32x512xf32, #tpu.memory_space<vmem>> -> memref<1x32x512xf32, #tpu.memory_space<vmem>>
    %dma_wait3A_149 = tpu.memref_squeeze %dma_wait3A_148 : memref<1x32x512xf32, #tpu.memory_space<vmem>> -> memref<32x512xf32, #tpu.memory_space<vmem>>
    %dma_wait3A_150 = arith.constant 0 : i32
    %dma_wait3A_151 = arith.constant 0 : i32
    %dma_wait3A_152 = tpu.memref_slice %arg3[%mul3A_2, %dma_wait3A_150, %dma_wait3A_151] : memref<2048x32x2048xf32, #tpu.memory_space<hbm>> -> memref<1x32x512xf32, #tpu.memory_space<hbm>>
    %dma_wait3A_153 = tpu.memref_squeeze %dma_wait3A_152 : memref<1x32x512xf32, #tpu.memory_space<hbm>> -> memref<32x512xf32, #tpu.memory_space<hbm>>
    %dma_wait3A_154 = arith.constant 0 : i32
    %dma_wait3A_155 = arith.constant 0 : i32
    %dma_wait3A_156 = tpu.memref_slice %arg3[%mul3A_2, %dma_wait3A_154, %dma_wait3A_155] : memref<2048x32x2048xf32, #tpu.memory_space<hbm>> -> memref<1x32x512xf32, #tpu.memory_space<hbm>>
    %dma_wait3A_157 = tpu.memref_squeeze %dma_wait3A_156 : memref<1x32x512xf32, #tpu.memory_space<hbm>> -> memref<32x512xf32, #tpu.memory_space<hbm>>
    %dma_wait3A_158 = arith.constant 0 : i32
    %dma_wait3A_159 = arith.constant 0 : i32
    %dma_wait3A_160 = tpu.memref_slice %arg4[%dma_wait3A_145, %dma_wait3A_158, %dma_wait3A_159] : memref<7x32x512xf32, #tpu.memory_space<vmem>> -> memref<1x32x512xf32, #tpu.memory_space<vmem>>
    %dma_wait3A_161 = tpu.memref_squeeze %dma_wait3A_160 : memref<1x32x512xf32, #tpu.memory_space<vmem>> -> memref<32x512xf32, #tpu.memory_space<vmem>>
    tpu.wait_dma2 semaphore(%arg6 : memref<!tpu.dma_semaphore, #tpu.memory_space<semaphore_mem>>) src(%dma_wait3A_161 : memref<32x512xf32, #tpu.memory_space<vmem>>) dst(%dma_wait3A_157 : memref<32x512xf32, #tpu.memory_space<hbm>>)
    return
  }
}

module attributes {stable_mosaic.version = 14 : i64} {
  func.func @body(%arg0: i32, %arg1: memref<32x257xf32, #tpu.memory_space<vmem>>, %arg2: memref<16x32x4096xf32, #tpu.memory_space<vmem>>, %arg3: memref<32x4224xf32, #tpu.memory_space<vmem>>) attributes {dimension_semantics = [#tpu.dimension_semantics<arbitrary>], iteration_bounds = array<i64: 8>, scalar_prefetch = 0 : i64, scratch_operands = 1 : i64, tpu.core_type = #tpu.core_type<tc>, window_params = [{pipeline_mode = #tpu.pipeline_mode<synchronous>, transform_indices = @transform_0, window_bounds = array<i64: 32, 257>}, {transform_indices = @transform_1, window_bounds = array<i64: 16, 32, 4096>}]} {
    %eq3A = arith.constant 0 : i32
    %eq3A_0 = arith.cmpi eq, %arg0, %eq3A : i32
    %convert_element_type3A = arith.extui %eq3A_0 : i1 to i32
    %cond3A = arith.constant 0 : i32
    %cond3A_1 = arith.cmpi ne, %convert_element_type3A, %cond3A : i32
    scf.if %cond3A_1 {
      %get3A_517 = arith.constant 0 : index
      %get3A_518 = arith.constant 0 : index
      %get3A_519 = vector.load %arg1[%get3A_517, %get3A_518] : memref<32x257xf32, #tpu.memory_space<vmem>>, vector<32x1xf32>
      %broadcast_in_dim3A = vector.shape_cast %get3A_519 : vector<32x1xf32> to vector<32x1xf32>
      %broadcast_in_dim3A_520 = vector.broadcast %broadcast_in_dim3A : vector<32x1xf32> to vector<32x1920xf32>
      %swap3A_521 = arith.constant 0 : index
      %swap3A_522 = arith.constant 0 : index
      %swap3A_523 = vector.load %arg3[%swap3A_521, %swap3A_522] : memref<32x4224xf32, #tpu.memory_space<vmem>>, vector<32x1920xf32>
      tpu.vector_store %arg3[%swap3A_521, %swap3A_522], %broadcast_in_dim3A_520 {strides = array<i32>} : memref<32x4224xf32, #tpu.memory_space<vmem>>, vector<32x1920xf32>,
      %get3A_524 = arith.constant 0 : index
      %get3A_525 = arith.constant 0 : index
      %get3A_526 = vector.load %arg1[%get3A_524, %get3A_525] : memref<32x257xf32, #tpu.memory_space<vmem>>, vector<32x256xf32>
      %swap3A_527 = arith.constant 0 : index
      %swap3A_528 = arith.constant 1920 : index
      %swap3A_529 = vector.load %arg3[%swap3A_527, %swap3A_528] : memref<32x4224xf32, #tpu.memory_space<vmem>>, vector<32x256xf32>
      tpu.vector_store %arg3[%swap3A_527, %swap3A_528], %get3A_526 {strides = array<i32>} : memref<32x4224xf32, #tpu.memory_space<vmem>>, vector<32x256xf32>,
      %get3A_530 = arith.constant 0 : index
      %get3A_531 = arith.constant 256 : index
      %get3A_532 = vector.load %arg1[%get3A_530, %get3A_531] : memref<32x257xf32, #tpu.memory_space<vmem>>, vector<32x1xf32>
      %broadcast_in_dim3A_533 = vector.shape_cast %get3A_532 : vector<32x1xf32> to vector<32x1xf32>
      %broadcast_in_dim3A_534 = vector.broadcast %broadcast_in_dim3A_533 : vector<32x1xf32> to vector<32x2048xf32>
      %swap3A_535 = arith.constant 0 : index
      %swap3A_536 = arith.constant 2176 : index
      %swap3A_537 = vector.load %arg3[%swap3A_535, %swap3A_536] : memref<32x4224xf32, #tpu.memory_space<vmem>>, vector<32x2048xf32>
      tpu.vector_store %arg3[%swap3A_535, %swap3A_536], %broadcast_in_dim3A_534 {strides = array<i32>} : memref<32x4224xf32, #tpu.memory_space<vmem>>, vector<32x2048xf32>,
    } else {
    }
    %mul3A = arith.constant 16 : i32
    %mul3A_2 = arith.muli %arg0, %mul3A : i32
    %add3A = arith.constant 0 : i32
    %add3A_3 = arith.addi %mul3A_2, %add3A : i32
    %get3A = arith.constant 0 : index
    %get3A_4 = arith.constant 0 : index
    %get3A_5 = vector.load %arg3[%get3A, %get3A_4] : memref<32x4224xf32, #tpu.memory_space<vmem>>, vector<32x4224xf32>
    %sub3A = arith.constant 4224 : i32
    %sub3A_6 = arith.subi %sub3A, %add3A_3 : i32
    %jit3A = arith.constant 4224 : i32
    %eq3A_7 = arith.constant 0 : i32
    %eq3A_8 = arith.cmpi eq, %jit3A, %eq3A_7 : i32
    %jit3A_9 = arith.constant 1 : i32
    %select_n3A = arith.select %eq3A_8, %jit3A_9, %jit3A : i32
    %rem3A = arith.remsi %sub3A_6, %select_n3A : i32
    %ne3A = arith.constant 0 : i32
    %ne3A_10 = arith.cmpi ne, %rem3A, %ne3A : i32
    %lt3A = arith.constant 0 : i32
    %lt3A_11 = arith.cmpi slt, %rem3A, %lt3A : i32
    %lt3A_12 = arith.constant 0 : i32
    %lt3A_13 = arith.cmpi slt, %select_n3A, %lt3A_12 : i32
    %ne3A_14 = arith.xori %lt3A_11, %lt3A_13 : i1
    %and3A = arith.andi %ne3A_14, %ne3A_10 : i1
    %add3A_15 = arith.addi %rem3A, %select_n3A : i32
    %select_n3A_16 = arith.select %and3A, %add3A_15, %rem3A : i32
    %roll3A = tpu.dynamic_rotate %get3A_5 by %select_n3A_16 dim 1 : vector<32x4224xf32>, i32 -> vector<32x4224xf32>
    %slice3A = vector.extract_strided_slice %roll3A {offsets = [0, 0], sizes = [32, 4096], strides = [1, 1]} : vector<32x4224xf32> to vector<32x4096xf32>
    %swap3A = arith.constant 0 : index
    %swap3A_17 = arith.constant 0 : index
    %swap3A_18 = arith.constant 0 : index
    %swap3A_19 = vector.load %arg2[%swap3A, %swap3A_17, %swap3A_18] : memref<16x32x4096xf32, #tpu.memory_space<vmem>>, vector<1x32x4096xf32>
    %swap3A_20 = vector.shape_cast %swap3A_19 : vector<1x32x4096xf32> to vector<32x4096xf32>
    %swap3A_21 = vector.shape_cast %slice3A : vector<32x4096xf32> to vector<1x32x4096xf32>
    tpu.vector_store %arg2[%swap3A, %swap3A_17, %swap3A_18], %swap3A_21 {strides = array<i32>} : memref<16x32x4096xf32, #tpu.memory_space<vmem>>, vector<1x32x4096xf32>,
    %mul3A_22 = arith.constant 16 : i32
    %mul3A_23 = arith.muli %arg0, %mul3A_22 : i32
    %add3A_24 = arith.constant 1 : i32
    %add3A_25 = arith.addi %mul3A_23, %add3A_24 : i32
    %get3A_26 = arith.constant 0 : index
    %get3A_27 = arith.constant 0 : index
    %get3A_28 = vector.load %arg3[%get3A_26, %get3A_27] : memref<32x4224xf32, #tpu.memory_space<vmem>>, vector<32x4224xf32>
    %sub3A_29 = arith.constant 4224 : i32
    %sub3A_30 = arith.subi %sub3A_29, %add3A_25 : i32
    %jit3A_31 = arith.constant 4224 : i32
    %eq3A_32 = arith.constant 0 : i32
    %eq3A_33 = arith.cmpi eq, %jit3A_31, %eq3A_32 : i32
    %jit3A_34 = arith.constant 1 : i32
    %select_n3A_35 = arith.select %eq3A_33, %jit3A_34, %jit3A_31 : i32
    %rem3A_36 = arith.remsi %sub3A_30, %select_n3A_35 : i32
    %ne3A_37 = arith.constant 0 : i32
    %ne3A_38 = arith.cmpi ne, %rem3A_36, %ne3A_37 : i32
    %lt3A_39 = arith.constant 0 : i32
    %lt3A_40 = arith.cmpi slt, %rem3A_36, %lt3A_39 : i32
    %lt3A_41 = arith.constant 0 : i32
    %lt3A_42 = arith.cmpi slt, %select_n3A_35, %lt3A_41 : i32
    %ne3A_43 = arith.xori %lt3A_40, %lt3A_42 : i1
    %and3A_44 = arith.andi %ne3A_43, %ne3A_38 : i1
    %add3A_45 = arith.addi %rem3A_36, %select_n3A_35 : i32
    %select_n3A_46 = arith.select %and3A_44, %add3A_45, %rem3A_36 : i32
    %roll3A_47 = tpu.dynamic_rotate %get3A_28 by %select_n3A_46 dim 1 : vector<32x4224xf32>, i32 -> vector<32x4224xf32>
    %slice3A_48 = vector.extract_strided_slice %roll3A_47 {offsets = [0, 0], sizes = [32, 4096], strides = [1, 1]} : vector<32x4224xf32> to vector<32x4096xf32>
    %swap3A_49 = arith.constant 1 : index
    %swap3A_50 = arith.constant 0 : index
    %swap3A_51 = arith.constant 0 : index
    %swap3A_52 = vector.load %arg2[%swap3A_49, %swap3A_50, %swap3A_51] : memref<16x32x4096xf32, #tpu.memory_space<vmem>>, vector<1x32x4096xf32>
    %swap3A_53 = vector.shape_cast %swap3A_52 : vector<1x32x4096xf32> to vector<32x4096xf32>
    %swap3A_54 = vector.shape_cast %slice3A_48 : vector<32x4096xf32> to vector<1x32x4096xf32>
    tpu.vector_store %arg2[%swap3A_49, %swap3A_50, %swap3A_51], %swap3A_54 {strides = array<i32>} : memref<16x32x4096xf32, #tpu.memory_space<vmem>>, vector<1x32x4096xf32>,
    %mul3A_55 = arith.constant 16 : i32
    %mul3A_56 = arith.muli %arg0, %mul3A_55 : i32
    %add3A_57 = arith.constant 2 : i32
    %add3A_58 = arith.addi %mul3A_56, %add3A_57 : i32
    %get3A_59 = arith.constant 0 : index
    %get3A_60 = arith.constant 0 : index
    %get3A_61 = vector.load %arg3[%get3A_59, %get3A_60] : memref<32x4224xf32, #tpu.memory_space<vmem>>, vector<32x4224xf32>
    %sub3A_62 = arith.constant 4224 : i32
    %sub3A_63 = arith.subi %sub3A_62, %add3A_58 : i32
    %jit3A_64 = arith.constant 4224 : i32
    %eq3A_65 = arith.constant 0 : i32
    %eq3A_66 = arith.cmpi eq, %jit3A_64, %eq3A_65 : i32
    %jit3A_67 = arith.constant 1 : i32
    %select_n3A_68 = arith.select %eq3A_66, %jit3A_67, %jit3A_64 : i32
    %rem3A_69 = arith.remsi %sub3A_63, %select_n3A_68 : i32
    %ne3A_70 = arith.constant 0 : i32
    %ne3A_71 = arith.cmpi ne, %rem3A_69, %ne3A_70 : i32
    %lt3A_72 = arith.constant 0 : i32
    %lt3A_73 = arith.cmpi slt, %rem3A_69, %lt3A_72 : i32
    %lt3A_74 = arith.constant 0 : i32
    %lt3A_75 = arith.cmpi slt, %select_n3A_68, %lt3A_74 : i32
    %ne3A_76 = arith.xori %lt3A_73, %lt3A_75 : i1
    %and3A_77 = arith.andi %ne3A_76, %ne3A_71 : i1
    %add3A_78 = arith.addi %rem3A_69, %select_n3A_68 : i32
    %select_n3A_79 = arith.select %and3A_77, %add3A_78, %rem3A_69 : i32
    %roll3A_80 = tpu.dynamic_rotate %get3A_61 by %select_n3A_79 dim 1 : vector<32x4224xf32>, i32 -> vector<32x4224xf32>
    %slice3A_81 = vector.extract_strided_slice %roll3A_80 {offsets = [0, 0], sizes = [32, 4096], strides = [1, 1]} : vector<32x4224xf32> to vector<32x4096xf32>
    %swap3A_82 = arith.constant 2 : index
    %swap3A_83 = arith.constant 0 : index
    %swap3A_84 = arith.constant 0 : index
    %swap3A_85 = vector.load %arg2[%swap3A_82, %swap3A_83, %swap3A_84] : memref<16x32x4096xf32, #tpu.memory_space<vmem>>, vector<1x32x4096xf32>
    %swap3A_86 = vector.shape_cast %swap3A_85 : vector<1x32x4096xf32> to vector<32x4096xf32>
    %swap3A_87 = vector.shape_cast %slice3A_81 : vector<32x4096xf32> to vector<1x32x4096xf32>
    tpu.vector_store %arg2[%swap3A_82, %swap3A_83, %swap3A_84], %swap3A_87 {strides = array<i32>} : memref<16x32x4096xf32, #tpu.memory_space<vmem>>, vector<1x32x4096xf32>,
    %mul3A_88 = arith.constant 16 : i32
    %mul3A_89 = arith.muli %arg0, %mul3A_88 : i32
    %add3A_90 = arith.constant 3 : i32
    %add3A_91 = arith.addi %mul3A_89, %add3A_90 : i32
    %get3A_92 = arith.constant 0 : index
    %get3A_93 = arith.constant 0 : index
    %get3A_94 = vector.load %arg3[%get3A_92, %get3A_93] : memref<32x4224xf32, #tpu.memory_space<vmem>>, vector<32x4224xf32>
    %sub3A_95 = arith.constant 4224 : i32
    %sub3A_96 = arith.subi %sub3A_95, %add3A_91 : i32
    %jit3A_97 = arith.constant 4224 : i32
    %eq3A_98 = arith.constant 0 : i32
    %eq3A_99 = arith.cmpi eq, %jit3A_97, %eq3A_98 : i32
    %jit3A_100 = arith.constant 1 : i32
    %select_n3A_101 = arith.select %eq3A_99, %jit3A_100, %jit3A_97 : i32
    %rem3A_102 = arith.remsi %sub3A_96, %select_n3A_101 : i32
    %ne3A_103 = arith.constant 0 : i32
    %ne3A_104 = arith.cmpi ne, %rem3A_102, %ne3A_103 : i32
    %lt3A_105 = arith.constant 0 : i32
    %lt3A_106 = arith.cmpi slt, %rem3A_102, %lt3A_105 : i32
    %lt3A_107 = arith.constant 0 : i32
    %lt3A_108 = arith.cmpi slt, %select_n3A_101, %lt3A_107 : i32
    %ne3A_109 = arith.xori %lt3A_106, %lt3A_108 : i1
    %and3A_110 = arith.andi %ne3A_109, %ne3A_104 : i1
    %add3A_111 = arith.addi %rem3A_102, %select_n3A_101 : i32
    %select_n3A_112 = arith.select %and3A_110, %add3A_111, %rem3A_102 : i32
    %roll3A_113 = tpu.dynamic_rotate %get3A_94 by %select_n3A_112 dim 1 : vector<32x4224xf32>, i32 -> vector<32x4224xf32>
    %slice3A_114 = vector.extract_strided_slice %roll3A_113 {offsets = [0, 0], sizes = [32, 4096], strides = [1, 1]} : vector<32x4224xf32> to vector<32x4096xf32>
    %swap3A_115 = arith.constant 3 : index
    %swap3A_116 = arith.constant 0 : index
    %swap3A_117 = arith.constant 0 : index
    %swap3A_118 = vector.load %arg2[%swap3A_115, %swap3A_116, %swap3A_117] : memref<16x32x4096xf32, #tpu.memory_space<vmem>>, vector<1x32x4096xf32>
    %swap3A_119 = vector.shape_cast %swap3A_118 : vector<1x32x4096xf32> to vector<32x4096xf32>
    %swap3A_120 = vector.shape_cast %slice3A_114 : vector<32x4096xf32> to vector<1x32x4096xf32>
    tpu.vector_store %arg2[%swap3A_115, %swap3A_116, %swap3A_117], %swap3A_120 {strides = array<i32>} : memref<16x32x4096xf32, #tpu.memory_space<vmem>>, vector<1x32x4096xf32>,
    %mul3A_121 = arith.constant 16 : i32
    %mul3A_122 = arith.muli %arg0, %mul3A_121 : i32
    %add3A_123 = arith.constant 4 : i32
    %add3A_124 = arith.addi %mul3A_122, %add3A_123 : i32
    %get3A_125 = arith.constant 0 : index
    %get3A_126 = arith.constant 0 : index
    %get3A_127 = vector.load %arg3[%get3A_125, %get3A_126] : memref<32x4224xf32, #tpu.memory_space<vmem>>, vector<32x4224xf32>
    %sub3A_128 = arith.constant 4224 : i32
    %sub3A_129 = arith.subi %sub3A_128, %add3A_124 : i32
    %jit3A_130 = arith.constant 4224 : i32
    %eq3A_131 = arith.constant 0 : i32
    %eq3A_132 = arith.cmpi eq, %jit3A_130, %eq3A_131 : i32
    %jit3A_133 = arith.constant 1 : i32
    %select_n3A_134 = arith.select %eq3A_132, %jit3A_133, %jit3A_130 : i32
    %rem3A_135 = arith.remsi %sub3A_129, %select_n3A_134 : i32
    %ne3A_136 = arith.constant 0 : i32
    %ne3A_137 = arith.cmpi ne, %rem3A_135, %ne3A_136 : i32
    %lt3A_138 = arith.constant 0 : i32
    %lt3A_139 = arith.cmpi slt, %rem3A_135, %lt3A_138 : i32
    %lt3A_140 = arith.constant 0 : i32
    %lt3A_141 = arith.cmpi slt, %select_n3A_134, %lt3A_140 : i32
    %ne3A_142 = arith.xori %lt3A_139, %lt3A_141 : i1
    %and3A_143 = arith.andi %ne3A_142, %ne3A_137 : i1
    %add3A_144 = arith.addi %rem3A_135, %select_n3A_134 : i32
    %select_n3A_145 = arith.select %and3A_143, %add3A_144, %rem3A_135 : i32
    %roll3A_146 = tpu.dynamic_rotate %get3A_127 by %select_n3A_145 dim 1 : vector<32x4224xf32>, i32 -> vector<32x4224xf32>
    %slice3A_147 = vector.extract_strided_slice %roll3A_146 {offsets = [0, 0], sizes = [32, 4096], strides = [1, 1]} : vector<32x4224xf32> to vector<32x4096xf32>
    %swap3A_148 = arith.constant 4 : index
    %swap3A_149 = arith.constant 0 : index
    %swap3A_150 = arith.constant 0 : index
    %swap3A_151 = vector.load %arg2[%swap3A_148, %swap3A_149, %swap3A_150] : memref<16x32x4096xf32, #tpu.memory_space<vmem>>, vector<1x32x4096xf32>
    %swap3A_152 = vector.shape_cast %swap3A_151 : vector<1x32x4096xf32> to vector<32x4096xf32>
    %swap3A_153 = vector.shape_cast %slice3A_147 : vector<32x4096xf32> to vector<1x32x4096xf32>
    tpu.vector_store %arg2[%swap3A_148, %swap3A_149, %swap3A_150], %swap3A_153 {strides = array<i32>} : memref<16x32x4096xf32, #tpu.memory_space<vmem>>, vector<1x32x4096xf32>,
    %mul3A_154 = arith.constant 16 : i32
    %mul3A_155 = arith.muli %arg0, %mul3A_154 : i32
    %add3A_156 = arith.constant 5 : i32
    %add3A_157 = arith.addi %mul3A_155, %add3A_156 : i32
    %get3A_158 = arith.constant 0 : index
    %get3A_159 = arith.constant 0 : index
    %get3A_160 = vector.load %arg3[%get3A_158, %get3A_159] : memref<32x4224xf32, #tpu.memory_space<vmem>>, vector<32x4224xf32>
    %sub3A_161 = arith.constant 4224 : i32
    %sub3A_162 = arith.subi %sub3A_161, %add3A_157 : i32
    %jit3A_163 = arith.constant 4224 : i32
    %eq3A_164 = arith.constant 0 : i32
    %eq3A_165 = arith.cmpi eq, %jit3A_163, %eq3A_164 : i32
    %jit3A_166 = arith.constant 1 : i32
    %select_n3A_167 = arith.select %eq3A_165, %jit3A_166, %jit3A_163 : i32
    %rem3A_168 = arith.remsi %sub3A_162, %select_n3A_167 : i32
    %ne3A_169 = arith.constant 0 : i32
    %ne3A_170 = arith.cmpi ne, %rem3A_168, %ne3A_169 : i32
    %lt3A_171 = arith.constant 0 : i32
    %lt3A_172 = arith.cmpi slt, %rem3A_168, %lt3A_171 : i32
    %lt3A_173 = arith.constant 0 : i32
    %lt3A_174 = arith.cmpi slt, %select_n3A_167, %lt3A_173 : i32
    %ne3A_175 = arith.xori %lt3A_172, %lt3A_174 : i1
    %and3A_176 = arith.andi %ne3A_175, %ne3A_170 : i1
    %add3A_177 = arith.addi %rem3A_168, %select_n3A_167 : i32
    %select_n3A_178 = arith.select %and3A_176, %add3A_177, %rem3A_168 : i32
    %roll3A_179 = tpu.dynamic_rotate %get3A_160 by %select_n3A_178 dim 1 : vector<32x4224xf32>, i32 -> vector<32x4224xf32>
    %slice3A_180 = vector.extract_strided_slice %roll3A_179 {offsets = [0, 0], sizes = [32, 4096], strides = [1, 1]} : vector<32x4224xf32> to vector<32x4096xf32>
    %swap3A_181 = arith.constant 5 : index
    %swap3A_182 = arith.constant 0 : index
    %swap3A_183 = arith.constant 0 : index
    %swap3A_184 = vector.load %arg2[%swap3A_181, %swap3A_182, %swap3A_183] : memref<16x32x4096xf32, #tpu.memory_space<vmem>>, vector<1x32x4096xf32>
    %swap3A_185 = vector.shape_cast %swap3A_184 : vector<1x32x4096xf32> to vector<32x4096xf32>
    %swap3A_186 = vector.shape_cast %slice3A_180 : vector<32x4096xf32> to vector<1x32x4096xf32>
    tpu.vector_store %arg2[%swap3A_181, %swap3A_182, %swap3A_183], %swap3A_186 {strides = array<i32>} : memref<16x32x4096xf32, #tpu.memory_space<vmem>>, vector<1x32x4096xf32>,
    %mul3A_187 = arith.constant 16 : i32
    %mul3A_188 = arith.muli %arg0, %mul3A_187 : i32
    %add3A_189 = arith.constant 6 : i32
    %add3A_190 = arith.addi %mul3A_188, %add3A_189 : i32
    %get3A_191 = arith.constant 0 : index
    %get3A_192 = arith.constant 0 : index
    %get3A_193 = vector.load %arg3[%get3A_191, %get3A_192] : memref<32x4224xf32, #tpu.memory_space<vmem>>, vector<32x4224xf32>
    %sub3A_194 = arith.constant 4224 : i32
    %sub3A_195 = arith.subi %sub3A_194, %add3A_190 : i32
    %jit3A_196 = arith.constant 4224 : i32
    %eq3A_197 = arith.constant 0 : i32
    %eq3A_198 = arith.cmpi eq, %jit3A_196, %eq3A_197 : i32
    %jit3A_199 = arith.constant 1 : i32
    %select_n3A_200 = arith.select %eq3A_198, %jit3A_199, %jit3A_196 : i32
    %rem3A_201 = arith.remsi %sub3A_195, %select_n3A_200 : i32
    %ne3A_202 = arith.constant 0 : i32
    %ne3A_203 = arith.cmpi ne, %rem3A_201, %ne3A_202 : i32
    %lt3A_204 = arith.constant 0 : i32
    %lt3A_205 = arith.cmpi slt, %rem3A_201, %lt3A_204 : i32
    %lt3A_206 = arith.constant 0 : i32
    %lt3A_207 = arith.cmpi slt, %select_n3A_200, %lt3A_206 : i32
    %ne3A_208 = arith.xori %lt3A_205, %lt3A_207 : i1
    %and3A_209 = arith.andi %ne3A_208, %ne3A_203 : i1
    %add3A_210 = arith.addi %rem3A_201, %select_n3A_200 : i32
    %select_n3A_211 = arith.select %and3A_209, %add3A_210, %rem3A_201 : i32
    %roll3A_212 = tpu.dynamic_rotate %get3A_193 by %select_n3A_211 dim 1 : vector<32x4224xf32>, i32 -> vector<32x4224xf32>
    %slice3A_213 = vector.extract_strided_slice %roll3A_212 {offsets = [0, 0], sizes = [32, 4096], strides = [1, 1]} : vector<32x4224xf32> to vector<32x4096xf32>
    %swap3A_214 = arith.constant 6 : index
    %swap3A_215 = arith.constant 0 : index
    %swap3A_216 = arith.constant 0 : index
    %swap3A_217 = vector.load %arg2[%swap3A_214, %swap3A_215, %swap3A_216] : memref<16x32x4096xf32, #tpu.memory_space<vmem>>, vector<1x32x4096xf32>
    %swap3A_218 = vector.shape_cast %swap3A_217 : vector<1x32x4096xf32> to vector<32x4096xf32>
    %swap3A_219 = vector.shape_cast %slice3A_213 : vector<32x4096xf32> to vector<1x32x4096xf32>
    tpu.vector_store %arg2[%swap3A_214, %swap3A_215, %swap3A_216], %swap3A_219 {strides = array<i32>} : memref<16x32x4096xf32, #tpu.memory_space<vmem>>, vector<1x32x4096xf32>,
    %mul3A_220 = arith.constant 16 : i32
    %mul3A_221 = arith.muli %arg0, %mul3A_220 : i32
    %add3A_222 = arith.constant 7 : i32
    %add3A_223 = arith.addi %mul3A_221, %add3A_222 : i32
    %get3A_224 = arith.constant 0 : index
    %get3A_225 = arith.constant 0 : index
    %get3A_226 = vector.load %arg3[%get3A_224, %get3A_225] : memref<32x4224xf32, #tpu.memory_space<vmem>>, vector<32x4224xf32>
    %sub3A_227 = arith.constant 4224 : i32
    %sub3A_228 = arith.subi %sub3A_227, %add3A_223 : i32
    %jit3A_229 = arith.constant 4224 : i32
    %eq3A_230 = arith.constant 0 : i32
    %eq3A_231 = arith.cmpi eq, %jit3A_229, %eq3A_230 : i32
    %jit3A_232 = arith.constant 1 : i32
    %select_n3A_233 = arith.select %eq3A_231, %jit3A_232, %jit3A_229 : i32
    %rem3A_234 = arith.remsi %sub3A_228, %select_n3A_233 : i32
    %ne3A_235 = arith.constant 0 : i32
    %ne3A_236 = arith.cmpi ne, %rem3A_234, %ne3A_235 : i32
    %lt3A_237 = arith.constant 0 : i32
    %lt3A_238 = arith.cmpi slt, %rem3A_234, %lt3A_237 : i32
    %lt3A_239 = arith.constant 0 : i32
    %lt3A_240 = arith.cmpi slt, %select_n3A_233, %lt3A_239 : i32
    %ne3A_241 = arith.xori %lt3A_238, %lt3A_240 : i1
    %and3A_242 = arith.andi %ne3A_241, %ne3A_236 : i1
    %add3A_243 = arith.addi %rem3A_234, %select_n3A_233 : i32
    %select_n3A_244 = arith.select %and3A_242, %add3A_243, %rem3A_234 : i32
    %roll3A_245 = tpu.dynamic_rotate %get3A_226 by %select_n3A_244 dim 1 : vector<32x4224xf32>, i32 -> vector<32x4224xf32>
    %slice3A_246 = vector.extract_strided_slice %roll3A_245 {offsets = [0, 0], sizes = [32, 4096], strides = [1, 1]} : vector<32x4224xf32> to vector<32x4096xf32>
    %swap3A_247 = arith.constant 7 : index
    %swap3A_248 = arith.constant 0 : index
    %swap3A_249 = arith.constant 0 : index
    %swap3A_250 = vector.load %arg2[%swap3A_247, %swap3A_248, %swap3A_249] : memref<16x32x4096xf32, #tpu.memory_space<vmem>>, vector<1x32x4096xf32>
    %swap3A_251 = vector.shape_cast %swap3A_250 : vector<1x32x4096xf32> to vector<32x4096xf32>
    %swap3A_252 = vector.shape_cast %slice3A_246 : vector<32x4096xf32> to vector<1x32x4096xf32>
    tpu.vector_store %arg2[%swap3A_247, %swap3A_248, %swap3A_249], %swap3A_252 {strides = array<i32>} : memref<16x32x4096xf32, #tpu.memory_space<vmem>>, vector<1x32x4096xf32>,
    %mul3A_253 = arith.constant 16 : i32
    %mul3A_254 = arith.muli %arg0, %mul3A_253 : i32
    %add3A_255 = arith.constant 8 : i32
    %add3A_256 = arith.addi %mul3A_254, %add3A_255 : i32
    %get3A_257 = arith.constant 0 : index
    %get3A_258 = arith.constant 0 : index
    %get3A_259 = vector.load %arg3[%get3A_257, %get3A_258] : memref<32x4224xf32, #tpu.memory_space<vmem>>, vector<32x4224xf32>
    %sub3A_260 = arith.constant 4224 : i32
    %sub3A_261 = arith.subi %sub3A_260, %add3A_256 : i32
    %jit3A_262 = arith.constant 4224 : i32
    %eq3A_263 = arith.constant 0 : i32
    %eq3A_264 = arith.cmpi eq, %jit3A_262, %eq3A_263 : i32
    %jit3A_265 = arith.constant 1 : i32
    %select_n3A_266 = arith.select %eq3A_264, %jit3A_265, %jit3A_262 : i32
    %rem3A_267 = arith.remsi %sub3A_261, %select_n3A_266 : i32
    %ne3A_268 = arith.constant 0 : i32
    %ne3A_269 = arith.cmpi ne, %rem3A_267, %ne3A_268 : i32
    %lt3A_270 = arith.constant 0 : i32
    %lt3A_271 = arith.cmpi slt, %rem3A_267, %lt3A_270 : i32
    %lt3A_272 = arith.constant 0 : i32
    %lt3A_273 = arith.cmpi slt, %select_n3A_266, %lt3A_272 : i32
    %ne3A_274 = arith.xori %lt3A_271, %lt3A_273 : i1
    %and3A_275 = arith.andi %ne3A_274, %ne3A_269 : i1
    %add3A_276 = arith.addi %rem3A_267, %select_n3A_266 : i32
    %select_n3A_277 = arith.select %and3A_275, %add3A_276, %rem3A_267 : i32
    %roll3A_278 = tpu.dynamic_rotate %get3A_259 by %select_n3A_277 dim 1 : vector<32x4224xf32>, i32 -> vector<32x4224xf32>
    %slice3A_279 = vector.extract_strided_slice %roll3A_278 {offsets = [0, 0], sizes = [32, 4096], strides = [1, 1]} : vector<32x4224xf32> to vector<32x4096xf32>
    %swap3A_280 = arith.constant 8 : index
    %swap3A_281 = arith.constant 0 : index
    %swap3A_282 = arith.constant 0 : index
    %swap3A_283 = vector.load %arg2[%swap3A_280, %swap3A_281, %swap3A_282] : memref<16x32x4096xf32, #tpu.memory_space<vmem>>, vector<1x32x4096xf32>
    %swap3A_284 = vector.shape_cast %swap3A_283 : vector<1x32x4096xf32> to vector<32x4096xf32>
    %swap3A_285 = vector.shape_cast %slice3A_279 : vector<32x4096xf32> to vector<1x32x4096xf32>
    tpu.vector_store %arg2[%swap3A_280, %swap3A_281, %swap3A_282], %swap3A_285 {strides = array<i32>} : memref<16x32x4096xf32, #tpu.memory_space<vmem>>, vector<1x32x4096xf32>,
    %mul3A_286 = arith.constant 16 : i32
    %mul3A_287 = arith.muli %arg0, %mul3A_286 : i32
    %add3A_288 = arith.constant 9 : i32
    %add3A_289 = arith.addi %mul3A_287, %add3A_288 : i32
    %get3A_290 = arith.constant 0 : index
    %get3A_291 = arith.constant 0 : index
    %get3A_292 = vector.load %arg3[%get3A_290, %get3A_291] : memref<32x4224xf32, #tpu.memory_space<vmem>>, vector<32x4224xf32>
    %sub3A_293 = arith.constant 4224 : i32
    %sub3A_294 = arith.subi %sub3A_293, %add3A_289 : i32
    %jit3A_295 = arith.constant 4224 : i32
    %eq3A_296 = arith.constant 0 : i32
    %eq3A_297 = arith.cmpi eq, %jit3A_295, %eq3A_296 : i32
    %jit3A_298 = arith.constant 1 : i32
    %select_n3A_299 = arith.select %eq3A_297, %jit3A_298, %jit3A_295 : i32
    %rem3A_300 = arith.remsi %sub3A_294, %select_n3A_299 : i32
    %ne3A_301 = arith.constant 0 : i32
    %ne3A_302 = arith.cmpi ne, %rem3A_300, %ne3A_301 : i32
    %lt3A_303 = arith.constant 0 : i32
    %lt3A_304 = arith.cmpi slt, %rem3A_300, %lt3A_303 : i32
    %lt3A_305 = arith.constant 0 : i32
    %lt3A_306 = arith.cmpi slt, %select_n3A_299, %lt3A_305 : i32
    %ne3A_307 = arith.xori %lt3A_304, %lt3A_306 : i1
    %and3A_308 = arith.andi %ne3A_307, %ne3A_302 : i1
    %add3A_309 = arith.addi %rem3A_300, %select_n3A_299 : i32
    %select_n3A_310 = arith.select %and3A_308, %add3A_309, %rem3A_300 : i32
    %roll3A_311 = tpu.dynamic_rotate %get3A_292 by %select_n3A_310 dim 1 : vector<32x4224xf32>, i32 -> vector<32x4224xf32>
    %slice3A_312 = vector.extract_strided_slice %roll3A_311 {offsets = [0, 0], sizes = [32, 4096], strides = [1, 1]} : vector<32x4224xf32> to vector<32x4096xf32>
    %swap3A_313 = arith.constant 9 : index
    %swap3A_314 = arith.constant 0 : index
    %swap3A_315 = arith.constant 0 : index
    %swap3A_316 = vector.load %arg2[%swap3A_313, %swap3A_314, %swap3A_315] : memref<16x32x4096xf32, #tpu.memory_space<vmem>>, vector<1x32x4096xf32>
    %swap3A_317 = vector.shape_cast %swap3A_316 : vector<1x32x4096xf32> to vector<32x4096xf32>
    %swap3A_318 = vector.shape_cast %slice3A_312 : vector<32x4096xf32> to vector<1x32x4096xf32>
    tpu.vector_store %arg2[%swap3A_313, %swap3A_314, %swap3A_315], %swap3A_318 {strides = array<i32>} : memref<16x32x4096xf32, #tpu.memory_space<vmem>>, vector<1x32x4096xf32>,
    %mul3A_319 = arith.constant 16 : i32
    %mul3A_320 = arith.muli %arg0, %mul3A_319 : i32
    %add3A_321 = arith.constant 10 : i32
    %add3A_322 = arith.addi %mul3A_320, %add3A_321 : i32
    %get3A_323 = arith.constant 0 : index
    %get3A_324 = arith.constant 0 : index
    %get3A_325 = vector.load %arg3[%get3A_323, %get3A_324] : memref<32x4224xf32, #tpu.memory_space<vmem>>, vector<32x4224xf32>
    %sub3A_326 = arith.constant 4224 : i32
    %sub3A_327 = arith.subi %sub3A_326, %add3A_322 : i32
    %jit3A_328 = arith.constant 4224 : i32
    %eq3A_329 = arith.constant 0 : i32
    %eq3A_330 = arith.cmpi eq, %jit3A_328, %eq3A_329 : i32
    %jit3A_331 = arith.constant 1 : i32
    %select_n3A_332 = arith.select %eq3A_330, %jit3A_331, %jit3A_328 : i32
    %rem3A_333 = arith.remsi %sub3A_327, %select_n3A_332 : i32
    %ne3A_334 = arith.constant 0 : i32
    %ne3A_335 = arith.cmpi ne, %rem3A_333, %ne3A_334 : i32
    %lt3A_336 = arith.constant 0 : i32
    %lt3A_337 = arith.cmpi slt, %rem3A_333, %lt3A_336 : i32
    %lt3A_338 = arith.constant 0 : i32
    %lt3A_339 = arith.cmpi slt, %select_n3A_332, %lt3A_338 : i32
    %ne3A_340 = arith.xori %lt3A_337, %lt3A_339 : i1
    %and3A_341 = arith.andi %ne3A_340, %ne3A_335 : i1
    %add3A_342 = arith.addi %rem3A_333, %select_n3A_332 : i32
    %select_n3A_343 = arith.select %and3A_341, %add3A_342, %rem3A_333 : i32
    %roll3A_344 = tpu.dynamic_rotate %get3A_325 by %select_n3A_343 dim 1 : vector<32x4224xf32>, i32 -> vector<32x4224xf32>
    %slice3A_345 = vector.extract_strided_slice %roll3A_344 {offsets = [0, 0], sizes = [32, 4096], strides = [1, 1]} : vector<32x4224xf32> to vector<32x4096xf32>
    %swap3A_346 = arith.constant 10 : index
    %swap3A_347 = arith.constant 0 : index
    %swap3A_348 = arith.constant 0 : index
    %swap3A_349 = vector.load %arg2[%swap3A_346, %swap3A_347, %swap3A_348] : memref<16x32x4096xf32, #tpu.memory_space<vmem>>, vector<1x32x4096xf32>
    %swap3A_350 = vector.shape_cast %swap3A_349 : vector<1x32x4096xf32> to vector<32x4096xf32>
    %swap3A_351 = vector.shape_cast %slice3A_345 : vector<32x4096xf32> to vector<1x32x4096xf32>
    tpu.vector_store %arg2[%swap3A_346, %swap3A_347, %swap3A_348], %swap3A_351 {strides = array<i32>} : memref<16x32x4096xf32, #tpu.memory_space<vmem>>, vector<1x32x4096xf32>,
    %mul3A_352 = arith.constant 16 : i32
    %mul3A_353 = arith.muli %arg0, %mul3A_352 : i32
    %add3A_354 = arith.constant 11 : i32
    %add3A_355 = arith.addi %mul3A_353, %add3A_354 : i32
    %get3A_356 = arith.constant 0 : index
    %get3A_357 = arith.constant 0 : index
    %get3A_358 = vector.load %arg3[%get3A_356, %get3A_357] : memref<32x4224xf32, #tpu.memory_space<vmem>>, vector<32x4224xf32>
    %sub3A_359 = arith.constant 4224 : i32
    %sub3A_360 = arith.subi %sub3A_359, %add3A_355 : i32
    %jit3A_361 = arith.constant 4224 : i32
    %eq3A_362 = arith.constant 0 : i32
    %eq3A_363 = arith.cmpi eq, %jit3A_361, %eq3A_362 : i32
    %jit3A_364 = arith.constant 1 : i32
    %select_n3A_365 = arith.select %eq3A_363, %jit3A_364, %jit3A_361 : i32
    %rem3A_366 = arith.remsi %sub3A_360, %select_n3A_365 : i32
    %ne3A_367 = arith.constant 0 : i32
    %ne3A_368 = arith.cmpi ne, %rem3A_366, %ne3A_367 : i32
    %lt3A_369 = arith.constant 0 : i32
    %lt3A_370 = arith.cmpi slt, %rem3A_366, %lt3A_369 : i32
    %lt3A_371 = arith.constant 0 : i32
    %lt3A_372 = arith.cmpi slt, %select_n3A_365, %lt3A_371 : i32
    %ne3A_373 = arith.xori %lt3A_370, %lt3A_372 : i1
    %and3A_374 = arith.andi %ne3A_373, %ne3A_368 : i1
    %add3A_375 = arith.addi %rem3A_366, %select_n3A_365 : i32
    %select_n3A_376 = arith.select %and3A_374, %add3A_375, %rem3A_366 : i32
    %roll3A_377 = tpu.dynamic_rotate %get3A_358 by %select_n3A_376 dim 1 : vector<32x4224xf32>, i32 -> vector<32x4224xf32>
    %slice3A_378 = vector.extract_strided_slice %roll3A_377 {offsets = [0, 0], sizes = [32, 4096], strides = [1, 1]} : vector<32x4224xf32> to vector<32x4096xf32>
    %swap3A_379 = arith.constant 11 : index
    %swap3A_380 = arith.constant 0 : index
    %swap3A_381 = arith.constant 0 : index
    %swap3A_382 = vector.load %arg2[%swap3A_379, %swap3A_380, %swap3A_381] : memref<16x32x4096xf32, #tpu.memory_space<vmem>>, vector<1x32x4096xf32>
    %swap3A_383 = vector.shape_cast %swap3A_382 : vector<1x32x4096xf32> to vector<32x4096xf32>
    %swap3A_384 = vector.shape_cast %slice3A_378 : vector<32x4096xf32> to vector<1x32x4096xf32>
    tpu.vector_store %arg2[%swap3A_379, %swap3A_380, %swap3A_381], %swap3A_384 {strides = array<i32>} : memref<16x32x4096xf32, #tpu.memory_space<vmem>>, vector<1x32x4096xf32>,
    %mul3A_385 = arith.constant 16 : i32
    %mul3A_386 = arith.muli %arg0, %mul3A_385 : i32
    %add3A_387 = arith.constant 12 : i32
    %add3A_388 = arith.addi %mul3A_386, %add3A_387 : i32
    %get3A_389 = arith.constant 0 : index
    %get3A_390 = arith.constant 0 : index
    %get3A_391 = vector.load %arg3[%get3A_389, %get3A_390] : memref<32x4224xf32, #tpu.memory_space<vmem>>, vector<32x4224xf32>
    %sub3A_392 = arith.constant 4224 : i32
    %sub3A_393 = arith.subi %sub3A_392, %add3A_388 : i32
    %jit3A_394 = arith.constant 4224 : i32
    %eq3A_395 = arith.constant 0 : i32
    %eq3A_396 = arith.cmpi eq, %jit3A_394, %eq3A_395 : i32
    %jit3A_397 = arith.constant 1 : i32
    %select_n3A_398 = arith.select %eq3A_396, %jit3A_397, %jit3A_394 : i32
    %rem3A_399 = arith.remsi %sub3A_393, %select_n3A_398 : i32
    %ne3A_400 = arith.constant 0 : i32
    %ne3A_401 = arith.cmpi ne, %rem3A_399, %ne3A_400 : i32
    %lt3A_402 = arith.constant 0 : i32
    %lt3A_403 = arith.cmpi slt, %rem3A_399, %lt3A_402 : i32
    %lt3A_404 = arith.constant 0 : i32
    %lt3A_405 = arith.cmpi slt, %select_n3A_398, %lt3A_404 : i32
    %ne3A_406 = arith.xori %lt3A_403, %lt3A_405 : i1
    %and3A_407 = arith.andi %ne3A_406, %ne3A_401 : i1
    %add3A_408 = arith.addi %rem3A_399, %select_n3A_398 : i32
    %select_n3A_409 = arith.select %and3A_407, %add3A_408, %rem3A_399 : i32
    %roll3A_410 = tpu.dynamic_rotate %get3A_391 by %select_n3A_409 dim 1 : vector<32x4224xf32>, i32 -> vector<32x4224xf32>
    %slice3A_411 = vector.extract_strided_slice %roll3A_410 {offsets = [0, 0], sizes = [32, 4096], strides = [1, 1]} : vector<32x4224xf32> to vector<32x4096xf32>
    %swap3A_412 = arith.constant 12 : index
    %swap3A_413 = arith.constant 0 : index
    %swap3A_414 = arith.constant 0 : index
    %swap3A_415 = vector.load %arg2[%swap3A_412, %swap3A_413, %swap3A_414] : memref<16x32x4096xf32, #tpu.memory_space<vmem>>, vector<1x32x4096xf32>
    %swap3A_416 = vector.shape_cast %swap3A_415 : vector<1x32x4096xf32> to vector<32x4096xf32>
    %swap3A_417 = vector.shape_cast %slice3A_411 : vector<32x4096xf32> to vector<1x32x4096xf32>
    tpu.vector_store %arg2[%swap3A_412, %swap3A_413, %swap3A_414], %swap3A_417 {strides = array<i32>} : memref<16x32x4096xf32, #tpu.memory_space<vmem>>, vector<1x32x4096xf32>,
    %mul3A_418 = arith.constant 16 : i32
    %mul3A_419 = arith.muli %arg0, %mul3A_418 : i32
    %add3A_420 = arith.constant 13 : i32
    %add3A_421 = arith.addi %mul3A_419, %add3A_420 : i32
    %get3A_422 = arith.constant 0 : index
    %get3A_423 = arith.constant 0 : index
    %get3A_424 = vector.load %arg3[%get3A_422, %get3A_423] : memref<32x4224xf32, #tpu.memory_space<vmem>>, vector<32x4224xf32>
    %sub3A_425 = arith.constant 4224 : i32
    %sub3A_426 = arith.subi %sub3A_425, %add3A_421 : i32
    %jit3A_427 = arith.constant 4224 : i32
    %eq3A_428 = arith.constant 0 : i32
    %eq3A_429 = arith.cmpi eq, %jit3A_427, %eq3A_428 : i32
    %jit3A_430 = arith.constant 1 : i32
    %select_n3A_431 = arith.select %eq3A_429, %jit3A_430, %jit3A_427 : i32
    %rem3A_432 = arith.remsi %sub3A_426, %select_n3A_431 : i32
    %ne3A_433 = arith.constant 0 : i32
    %ne3A_434 = arith.cmpi ne, %rem3A_432, %ne3A_433 : i32
    %lt3A_435 = arith.constant 0 : i32
    %lt3A_436 = arith.cmpi slt, %rem3A_432, %lt3A_435 : i32
    %lt3A_437 = arith.constant 0 : i32
    %lt3A_438 = arith.cmpi slt, %select_n3A_431, %lt3A_437 : i32
    %ne3A_439 = arith.xori %lt3A_436, %lt3A_438 : i1
    %and3A_440 = arith.andi %ne3A_439, %ne3A_434 : i1
    %add3A_441 = arith.addi %rem3A_432, %select_n3A_431 : i32
    %select_n3A_442 = arith.select %and3A_440, %add3A_441, %rem3A_432 : i32
    %roll3A_443 = tpu.dynamic_rotate %get3A_424 by %select_n3A_442 dim 1 : vector<32x4224xf32>, i32 -> vector<32x4224xf32>
    %slice3A_444 = vector.extract_strided_slice %roll3A_443 {offsets = [0, 0], sizes = [32, 4096], strides = [1, 1]} : vector<32x4224xf32> to vector<32x4096xf32>
    %swap3A_445 = arith.constant 13 : index
    %swap3A_446 = arith.constant 0 : index
    %swap3A_447 = arith.constant 0 : index
    %swap3A_448 = vector.load %arg2[%swap3A_445, %swap3A_446, %swap3A_447] : memref<16x32x4096xf32, #tpu.memory_space<vmem>>, vector<1x32x4096xf32>
    %swap3A_449 = vector.shape_cast %swap3A_448 : vector<1x32x4096xf32> to vector<32x4096xf32>
    %swap3A_450 = vector.shape_cast %slice3A_444 : vector<32x4096xf32> to vector<1x32x4096xf32>
    tpu.vector_store %arg2[%swap3A_445, %swap3A_446, %swap3A_447], %swap3A_450 {strides = array<i32>} : memref<16x32x4096xf32, #tpu.memory_space<vmem>>, vector<1x32x4096xf32>,
    %mul3A_451 = arith.constant 16 : i32
    %mul3A_452 = arith.muli %arg0, %mul3A_451 : i32
    %add3A_453 = arith.constant 14 : i32
    %add3A_454 = arith.addi %mul3A_452, %add3A_453 : i32
    %get3A_455 = arith.constant 0 : index
    %get3A_456 = arith.constant 0 : index
    %get3A_457 = vector.load %arg3[%get3A_455, %get3A_456] : memref<32x4224xf32, #tpu.memory_space<vmem>>, vector<32x4224xf32>
    %sub3A_458 = arith.constant 4224 : i32
    %sub3A_459 = arith.subi %sub3A_458, %add3A_454 : i32
    %jit3A_460 = arith.constant 4224 : i32
    %eq3A_461 = arith.constant 0 : i32
    %eq3A_462 = arith.cmpi eq, %jit3A_460, %eq3A_461 : i32
    %jit3A_463 = arith.constant 1 : i32
    %select_n3A_464 = arith.select %eq3A_462, %jit3A_463, %jit3A_460 : i32
    %rem3A_465 = arith.remsi %sub3A_459, %select_n3A_464 : i32
    %ne3A_466 = arith.constant 0 : i32
    %ne3A_467 = arith.cmpi ne, %rem3A_465, %ne3A_466 : i32
    %lt3A_468 = arith.constant 0 : i32
    %lt3A_469 = arith.cmpi slt, %rem3A_465, %lt3A_468 : i32
    %lt3A_470 = arith.constant 0 : i32
    %lt3A_471 = arith.cmpi slt, %select_n3A_464, %lt3A_470 : i32
    %ne3A_472 = arith.xori %lt3A_469, %lt3A_471 : i1
    %and3A_473 = arith.andi %ne3A_472, %ne3A_467 : i1
    %add3A_474 = arith.addi %rem3A_465, %select_n3A_464 : i32
    %select_n3A_475 = arith.select %and3A_473, %add3A_474, %rem3A_465 : i32
    %roll3A_476 = tpu.dynamic_rotate %get3A_457 by %select_n3A_475 dim 1 : vector<32x4224xf32>, i32 -> vector<32x4224xf32>
    %slice3A_477 = vector.extract_strided_slice %roll3A_476 {offsets = [0, 0], sizes = [32, 4096], strides = [1, 1]} : vector<32x4224xf32> to vector<32x4096xf32>
    %swap3A_478 = arith.constant 14 : index
    %swap3A_479 = arith.constant 0 : index
    %swap3A_480 = arith.constant 0 : index
    %swap3A_481 = vector.load %arg2[%swap3A_478, %swap3A_479, %swap3A_480] : memref<16x32x4096xf32, #tpu.memory_space<vmem>>, vector<1x32x4096xf32>
    %swap3A_482 = vector.shape_cast %swap3A_481 : vector<1x32x4096xf32> to vector<32x4096xf32>
    %swap3A_483 = vector.shape_cast %slice3A_477 : vector<32x4096xf32> to vector<1x32x4096xf32>
    tpu.vector_store %arg2[%swap3A_478, %swap3A_479, %swap3A_480], %swap3A_483 {strides = array<i32>} : memref<16x32x4096xf32, #tpu.memory_space<vmem>>, vector<1x32x4096xf32>,
    %mul3A_484 = arith.constant 16 : i32
    %mul3A_485 = arith.muli %arg0, %mul3A_484 : i32
    %add3A_486 = arith.constant 15 : i32
    %add3A_487 = arith.addi %mul3A_485, %add3A_486 : i32
    %get3A_488 = arith.constant 0 : index
    %get3A_489 = arith.constant 0 : index
    %get3A_490 = vector.load %arg3[%get3A_488, %get3A_489] : memref<32x4224xf32, #tpu.memory_space<vmem>>, vector<32x4224xf32>
    %sub3A_491 = arith.constant 4224 : i32
    %sub3A_492 = arith.subi %sub3A_491, %add3A_487 : i32
    %jit3A_493 = arith.constant 4224 : i32
    %eq3A_494 = arith.constant 0 : i32
    %eq3A_495 = arith.cmpi eq, %jit3A_493, %eq3A_494 : i32
    %jit3A_496 = arith.constant 1 : i32
    %select_n3A_497 = arith.select %eq3A_495, %jit3A_496, %jit3A_493 : i32
    %rem3A_498 = arith.remsi %sub3A_492, %select_n3A_497 : i32
    %ne3A_499 = arith.constant 0 : i32
    %ne3A_500 = arith.cmpi ne, %rem3A_498, %ne3A_499 : i32
    %lt3A_501 = arith.constant 0 : i32
    %lt3A_502 = arith.cmpi slt, %rem3A_498, %lt3A_501 : i32
    %lt3A_503 = arith.constant 0 : i32
    %lt3A_504 = arith.cmpi slt, %select_n3A_497, %lt3A_503 : i32
    %ne3A_505 = arith.xori %lt3A_502, %lt3A_504 : i1
    %and3A_506 = arith.andi %ne3A_505, %ne3A_500 : i1
    %add3A_507 = arith.addi %rem3A_498, %select_n3A_497 : i32
    %select_n3A_508 = arith.select %and3A_506, %add3A_507, %rem3A_498 : i32
    %roll3A_509 = tpu.dynamic_rotate %get3A_490 by %select_n3A_508 dim 1 : vector<32x4224xf32>, i32 -> vector<32x4224xf32>
    %slice3A_510 = vector.extract_strided_slice %roll3A_509 {offsets = [0, 0], sizes = [32, 4096], strides = [1, 1]} : vector<32x4224xf32> to vector<32x4096xf32>
    %swap3A_511 = arith.constant 15 : index
    %swap3A_512 = arith.constant 0 : index
    %swap3A_513 = arith.constant 0 : index
    %swap3A_514 = vector.load %arg2[%swap3A_511, %swap3A_512, %swap3A_513] : memref<16x32x4096xf32, #tpu.memory_space<vmem>>, vector<1x32x4096xf32>
    %swap3A_515 = vector.shape_cast %swap3A_514 : vector<1x32x4096xf32> to vector<32x4096xf32>
    %swap3A_516 = vector.shape_cast %slice3A_510 : vector<32x4096xf32> to vector<1x32x4096xf32>
    tpu.vector_store %arg2[%swap3A_511, %swap3A_512, %swap3A_513], %swap3A_516 {strides = array<i32>} : memref<16x32x4096xf32, #tpu.memory_space<vmem>>, vector<1x32x4096xf32>,
    return
  }
  func.func @transform_0(%arg0: i32) -> (i32, i32) {
    %c0_i32 = arith.constant 0 : i32
    %c0_i32_0 = arith.constant 0 : i32
    %c0_i32_1 = arith.constant 0 : i32
    return %c0_i32, %c0_i32_0 : i32, i32
  }
  func.func @transform_1(%arg0: i32) -> (i32, i32, i32) {
    %c0_i32 = arith.constant 0 : i32
    %c0_i32_0 = arith.constant 0 : i32
    %c0_i32_1 = arith.constant 0 : i32
    return %arg0, %c0_i32, %c0_i32_0 : i32, i32, i32
  }
}

</mosaic_0001>

<sc_bundles>
// kernel: kernel.4.cloned.1.call-start
scs
__scs_entry_jumppad:
0x0: {  	(pc) =	sbr.rel $0x88, $3  }
0x1: {  	(tag) =	ssettag $0x0;
	lr =	simm.s32 $0x1  }
0x2: {  	[smem:$0x3FA0] =	sst lr;
	_ =	strace $0xD0000000  }
0x3: {  	_ = 	snop  }
0x4: {  	_ = 	snop  }
0x5: {  	_ = 	snop  }
0x6: {  	_ = 	snop  }
0x7: {  	_ = 	snop  }
__scs_overlays_trampoline_lowered:
0x8: {  	[smem:$0x3FAF] =	sst s0  }
0x9: {  	[smem:$0x3FB0] =	sst s1  }
0xa: {  	[smem:$0x3FB1] =	sst s2  }
0xb: {  	[smem:$0x3FB2] =	sst s3  }
0xc: {  	[smem:$0x3FB3] =	sst s4  }
0xd: {  	[smem:$0x3FB4] =	sst s5  }
0xe: {  	[smem:$0x3FB5] =	sst s6  }
0xf: {  	[smem:$0x3FB6] =	sst s7  }
0x10: {  	[smem:$0x3FB7] =	sst s8  }
0x11: {  	[smem:$0x3FB8] =	sst s9;
	s0 =	simm.s32 @!p0 $0x0  }
0x12: {  	s1 =	sld [smem:$0x3F9E];
	s0 =	simm.s32 @p0 $0x1  }
0x13: {  	[smem:$0x3FB9] =	sst s0;
	s0 =	simm.s32 @!p1 $0x0  }
0x14: {  	s2 =	sld [smem:$0x3F9D];
	s0 =	simm.s32 @p1 $0x1  }
0x15: {  	[smem:$0x3FBA] =	sst s0;
	s0 =	simm.s32 @!p2 $0x0  }
0x16: {  	s3 =	sld [smem:$0x3FDB];
	s0 =	simm.s32 @p2 $0x1  }
0x17: {  	s4 =	simm.s32 $0x1BF5;
	[smem:$0x3FBC] =	sst s0  }
0x18: {  	s0 =	sld [smem:$0x3F9F];
	_ =	swait.ge [sflag:s4], $0x0  }
0x19: {  	s7 =	sld [smem:$0x3FA0]  }
0x1a: {  	s8 =	sadd.s32 $0xFFFFE003, lr  }
0x1b: {  	s9 =	sadd.s32 $0xFFFFFEF7, lr;
	s5 =	simm.s32 $0xFFFFFFFF;
	p2 =	slt.u32 s8, $0xFFFFF086  }
0x1c: {  	p1 =	slt.u32 s9, $0xF7A;
	s5 =	simm.s32 @!p2 $0x0  }
0x1d: {  	s5 =	simm.s32 @p1 $0x1;
	p0 =	seq.s32 s7, s2  }
0x1e: {  	s7 =	smul.u32 @!p0 $0xF7A, s2;
	p2 =	seq.s32 @!p0 s5, $0x0  }
0x1f: {  	s9 =	smul.u32 $0xF7A, s1;
	s8 =	simm.s32 @!p0 $0x1BF5;
	p2 =	por !p2, p0  }
0x20: {  	[sflag:s8] =	ssyncset.s32 @!p0 $0xFFFFF086;
	s6 =	sadd.s32 @!p0 s3, s7;
	s7 =	simm.s32 @!p0 $0x108  }
0x21: {  	s3 =	sadd.s32 s3, s9;
	s6 =	sadd.s32 @!p0 $0x88, s6;
	s7 =	simm.s32 @p2 $0x1082  }
0x22: {  	[simem:s7], [sflag:s8] =	dma.local @!p0 [hbm:s6], $0xF7A  }
0x23: {  	s9 =	sor.u32 $0xD0000000, s2;
	s6 =	simm.s32 $0x108;
	_ =	swait.ge @!p0 [sflag:s8], $0x0  }
0x24: {  	s3 =	sadd.s32 $0x88, s3;
	s6 =	simm.s32 @!p1 $0x1082;
	[sflag:s4] =	ssyncset.s32 $0xFFFFF086  }
0x25: {  	[simem:s6], [sflag:s4] =	dma.local [hbm:s3], $0xF7A  }
0x26: {  	[smem:$0x3FA0] =	sst s1;
	(tag) =	ssettag s2;
	_ =	strace s9  }
0x27: {  	s1 =	sld [smem:$0x3FB0]  }
0x28: {  	s2 =	sld [smem:$0x3FB1]  }
0x29: {  	s4 =	sld [smem:$0x3FB3]  }
0x2a: {  	p0 =	seq.s32 s5, $0x0;
	s5 =	sld [smem:$0x3FB4]  }
0x2b: {  	s6 =	sld [smem:$0x3FB5]  }
0x2c: {  	s7 =	sld [smem:$0x3FB6]  }
0x2d: {  	s3 =	simm.s32 $0x108;
	s8 =	sld [smem:$0x3FB7]  }
0x2e: {  	s3 =	simm.s32 @!p0 $0x1082;
	s9 =	sld [smem:$0x3FB8]  }
0x2f: {  	lr =	sadd.s32 s0, s3;
	s0 =	sld [smem:$0x3FAF]  }
0x30: {  	s3 =	sld [smem:$0x3FB2]  }
0x31: {  	[smem:$0x3FBB] =	sst s10  }
0x32: {  	s10 =	sld [smem:$0x3FB9];
	_ =	sdelay $0x3  }
0x33: {  	p0 =	seq.s32 s10, $0x1;
	s10 =	sld [smem:$0x3FBB];
	_ =	sdelay $0x3  }
0x34: {  	[smem:$0x3FBB] =	sst s10  }
0x35: {  	s10 =	sld [smem:$0x3FBA];
	_ =	sdelay $0x3  }
0x36: {  	p1 =	seq.s32 s10, $0x1;
	s10 =	sld [smem:$0x3FBB];
	_ =	sdelay $0x3  }
0x37: {  	[smem:$0x3FBB] =	sst s10  }
0x38: {  	s10 =	sld [smem:$0x3FBC]  }
0x39: {  	_ = 	snop;
	(pc) =	sbr.ind lr, $3  }
0x3a: {  	_ = 	snop  }
0x3b: {  	_ = 	snop  }
0x3c: {  	p2 =	seq.s32 s10, $0x1;
	s10 =	sld [smem:$0x3FBB]  }
0x3d: {  	_ =	shalt  }
0x3e: {  	_ =	shalt  }
0x3f: {  	_ =	shalt  }
0x40: {  	_ =	shalt  }
0x41: {  	_ =	shalt  }
0x42: {  	_ =	shalt  }
0x43: {  	_ =	shalt  }
0x44: {  	_ =	shalt  }
0x45: {  	_ =	shalt  }
0x46: {  	_ =	shalt  }
0x47: {  	_ =	shalt  }
0x48: {  	_ =	shalt  }
0x49: {  	_ =	shalt  }
0x4a: {  	_ =	shalt  }
0x4b: {  	_ =	shalt  }
0x4c: {  	_ =	shalt  }
0x4d: {  	_ =	shalt  }
0x4e: {  	_ =	shalt  }
0x4f: {  	_ =	shalt  }
0x50: {  	_ =	shalt  }
0x51: {  	_ =	shalt  }
0x52: {  	_ =	shalt  }
0x53: {  	_ =	shalt  }
0x54: {  	_ =	shalt  }
0x55: {  	_ =	shalt  }
0x56: {  	_ =	shalt  }
0x57: {  	_ =	shalt  }
0x58: {  	_ =	shalt  }
0x59: {  	_ =	shalt  }
0x5a: {  	_ =	shalt  }
0x5b: {  	_ =	shalt  }
0x5c: {  	_ =	shalt  }
0x5d: {  	_ =	shalt  }
0x5e: {  	_ =	shalt  }
0x5f: {  	_ =	shalt  }
0x60: {  	_ =	shalt  }
0x61: {  	_ =	shalt  }
0x62: {  	_ =	shalt  }
0x63: {  	_ =	shalt  }
0x64: {  	_ =	shalt  }
0x65: {  	_ =	shalt  }
0x66: {  	_ =	shalt  }
0x67: {  	_ =	shalt  }
0x68: {  	_ =	shalt  }
0x69: {  	_ =	shalt  }
0x6a: {  	_ =	shalt  }
0x6b: {  	_ =	shalt  }
0x6c: {  	_ =	shalt  }
0x6d: {  	_ =	shalt  }
0x6e: {  	_ =	shalt  }
0x6f: {  	_ =	shalt  }
0x70: {  	_ =	shalt  }
0x71: {  	_ =	shalt  }
0x72: {  	_ =	shalt  }
0x73: {  	_ =	shalt  }
0x74: {  	_ =	shalt  }
0x75: {  	_ =	shalt  }
0x76: {  	_ =	shalt  }
0x77: {  	_ =	shalt  }
0x78: {  	_ =	shalt  }
0x79: {  	_ =	shalt  }
0x7a: {  	_ =	shalt  }
0x7b: {  	_ =	shalt  }
0x7c: {  	_ =	shalt  }
0x7d: {  	_ =	shalt  }
0x7e: {  	_ =	shalt  }
0x7f: {  	_ =	shalt  }
0x80: {  	_ =	shalt  }
0x81: {  	_ =	shalt  }
0x82: {  	_ =	shalt  }
0x83: {  	_ =	shalt  }
0x84: {  	_ =	shalt  }
0x85: {  	_ =	shalt  }
0x86: {  	_ =	shalt  }
0x87: {  	_ =	shalt  }
.Lfunc_end0:
.L_simem_size_0:
called_computation_lowered:
.L_overlay_start_0:
0x88: {  	s2 =	sld [smem:$0x3FD9]  }
0x89: {  	s3 =	sld [smem:$0x3FFE];
	_ =	sdelay $0x1  }
0x8a: {  	s1 =	srdreg.scid  }
0x8b: {  	s0 =	sand.u32 $0x1, s1  }
0x8c: {  	s17 =	sshll.u32 s0, $0xA;
	s2 =	sadd.s32 s3, s2  }
0x8d: {  	s2 =	sadd.s32 s2, s17  }
0x8e: {  	[smem:$0x3FC7] =	sst s2  }
0x8f: {  	_ = 	snop  }
0x90: {  	s2 =	sld [smem:$0x3FD0];
	(tm) =	ssettm $0x1  }
0x91: {  	s18 =	sld [smem:$0x3FFB];
	_ =	sdelay $0x3  }
0x92: {  	_ =	strace s18  }
0x93: {  	s3 =	sld [smem:$0x3FFC];
	_ =	sdelay $0x3  }
0x94: {  	_ =	strace s3  }
0x95: {  	s3 =	sld [smem:$0x3FFD];
	_ =	sdelay $0x3  }
0x96: {  	_ =	strace s3  }
0x97: {  	_ =	strace $0x8FFFFFFF  }
0x98: {  	s19 =	sld [smem:$0x3FDB];
	_ =	sdelay $0x1  }
0x99: {  	s4 =	simm.s32 $_scs_section_size  }
0x9a: {  	s5 =	simm.s32 $_size__tile_overlayer_lowered;
	s6 =	simm.s32 $_tile_overlayer_lowered  }
0x9b: {  	s22 =	simm.s32 $0x1BFF;
	s21 =	sshll.u32 s6, $0x1;
	s3 =	sadd.s32 s4, s19  }
0x9c: {  	s7 =	simm.s32 $0x0;
	s20 =	sshll.u32 s5, $0x1;
	s5 =	sadd.s32 s21, s3  }
0x9d: {  	[timem:s7], [sflag:s22] =	dma.local [hbm:s5], s20  }
0x9e: {  	_ =	swait.ge [sflag:s22], s20  }
0x9f: {  	s4 =	ssub.s32 $0x0, s20;
	[sflag:s22] =	ssyncset.done $0x0  }
0xa0: {  	[sflag:s22] =	ssyncadd.s32 s4;
	_ =	sdelay $0x1  }
0xa1: {  	s23 =	simm.s32 $0x1B8B  }
0xa2: {  	_ =	swait.ge [sflag:s23], $0x1  }
0xa3: {  	[sflag:s23] =	ssyncset.done $0x0  }
0xa4: {  	s25 =	simm.s32 $0x1B8E;
	s24 =	sld [smem:$0x3FFE];
	[sflag:s23] =	ssyncadd.s32 $0xFFFFFFFF  }
0xa5: {  	s26 =	simm.s32 $execute0_lowered;
	[smem:$0x3FD2] =	sst s25  }
0xa6: {  	s5 =	sshll.u32 s26, $0x1;
	_ =	strace $0x80000046;
	[dreg:$0x1] =	wrdreg $0xFFFFFFFF  }
0xa7: {  	s28 =	simm.s32 $_size_execute0_lowered;
	s3 =	sadd.s32 s3, s5;
	[dreg:$0x0] =	wrdreg $0x0  }
0xa8: {  	s5 =	sshll.u32 s28, $0x1;
	[dreg:$0x2] =	wrdreg s3  }
0xa9: {  	[dreg:$0x3] =	wrdreg s5  }
0xaa: {  	[dreg:$0x4] =	wrdreg $0xC0  }
0xab: {  	_ =	task [dreg:s7], $0x5FFFF  }
0xac: {  	[dreg:$0x1] =	wrdreg $0xFFFFFFFF  }
0xad: {  	[dreg:$0x0] =	wrdreg $0x60  }
0xae: {  	[dreg:$0x2] =	wrdreg s24  }
0xaf: {  	[dreg:$0x3] =	wrdreg s2  }
0xb0: {  	[dreg:$0x4] =	wrdreg $0x9  }
0xb1: {  	_ =	task.clear_ibuf [dreg:s7], $0x5FFFF;
	_ =	strace $0x90000046  }
0xb2: {  	s29 =	simm.s32 $0x9;
	_ =	strace $0x80000048  }
0xb3: {  	_ =	swait.ge [sflag:s29], $0x1  }
0xb4: {  	[sflag:s29] =	ssyncadd.s32 $0xFFFFFFFF  }
0xb5: {  	_ =	strace $0x90000048  }
0xb6: {  	_ =	sfence  }
0xb7: {  	s30 =	sld [smem:$0x0];
	_ =	sdelay $0x2  }
0xb8: {  	s31 =	sshll.u32 s1, $0xD;
	s1 =	sshrl.u32 s1, $0x2  }
0xb9: {  	s3 =	sand.u32 $0x4000, s31;
	s1 =	sadd.s32 s1, s30  }
0xba: {  	s0 =	sor.u32 s3, s0;
	s1 =	sshll.u32 s1, $0x11  }
0xbb: {  	s0 =	sor.u32 s1, s0  }
0xbc: {  	s0 =	sadd.s32 $0x8F2B, s0  }
0xbd: {  	[sflag:s0] =	ssyncadd.remote.s32 $0x1  }
0xbe: {  	_ =	sfence.sel $0xFFFF  }
0xbf: {  	[dreg:$0x0] =	wrdreg $0xFFFFFFFF;
	(pc) =	sbr.abs _section_cstart, $3  }
0xc0: {  	[dreg:$0x1] =	wrdreg $0xFFFFFFFF  }
0xc1: {  	_ =	task.clear_ibuf [dreg:s7], $0x2FFFF;
	_ =	strace $0x9FFFFFFF  }
0xc2: {  	(tm) =	ssettm $0x7FFFFFFF  }
0xc3: {  	_ =	shalt  }
tec
execute0_lowered:
.L_overlay_start_1:
0x0: {  	(tag) =	ssettag $0x1  }
0x1: {  	s1 =	srdreg.scid  }
0x2: {  	s0 =	stileid.u32;
	s5 =	rddreg [dreg:$0x0]  }
0x3: {  	s2 =	rddreg [dreg:$0x1];
	s4 =	simm.s32 $0x0;
	s13 =	simm.s32 $0x8000  }
0x4: {  	s14 =	simm.s32 $0x4000;
	s15 =	simm.s32 $0xC000;
	s16 =	simm.s32 $0x10000  }
0x5: {  	s17 =	simm.s32 $0x1;
	s18 =	simm.s32 $0x2;
	s8 =	sand.u32 $0x1, s1  }
0x6: {  	s19 =	simm.s32 $0x0;
	s9 =	sshll.u32 s0, $0x7;
	s1 =	sshll.u32 s8, $0x6  }
0x7: {  	[smem:$0x7FF] =	sst s4;
	s5 =	sadd.s32 $0x600, s5;
	s3 =	sor.u32 s1, s9  }
0x8: {  	s24 =	ssub.s32 $0x2, s8;
	s8 =	sshll.u32 s8, $0x14;
	s6 =	ssub.s32 $0x800, s3  }
0x9: {  	s1 =	rddreg [dreg:$0x2];
	s7 =	sshll.u32 s6, $0x11;
	s6 =	sshll.u32 s6, $0x3  }
0xa: {  	_ =	strace $0x80000047;
	s25 =	sshrl.u32 s24, $0x1;
	s6 =	sor.u32 s6, s7  }
0xb: {  	s8 =	sor.u32 s9, s8;
	s12 =	ssub.s32 s24, s25;
	s10 =	sand.u32 $0x807C00, s6  }
0xc: {  	s31 =	sxor.u32 $0x1FC780, s8;
	s11 =	sadd.s32 $0x1000, s10;
	s26 =	sshrl.u32 s10, $0x3  }
0xd: {  	s29 =	sadd.s32 $0x2000, s10;
	s10 =	sadd.s32 $0x3000, s10;
	s28 =	sshrl.u32 s11, $0x3  }
0xe: {  	s6 =	sadd.s32 s5, s26;
	s30 =	sshrl.u32 s29, $0x3;
	s10 =	sshrl.u32 s10, $0x3  }
0xf: {  	s11 =	smax.u32 s12, $0x1;
	s12 =	simm.s32 $0x1000;
	s7 =	sadd.s32 s5, s28  }
0x10: {  	s8 =	sadd.s32 s5, s30;
	s9 =	sadd.s32 s5, s10;
	s10 =	sadd.s32 s5, s31  }
.LBB2_1:
0x11: {  	[tilespmem:s4], [sflag:$0x1] =	stream.strided.gather [hbm4b:s6+s12], $0x4000, s13, s12, $0x38;
	[tilespmem:$0x1C000] =	vst v63  }
0x12: {  	_ = 	snop  }
0x13: {  	[tilespmem:s14], [sflag:$0x1] =	stream.strided.gather [hbm4b:s7+s12], $0x4000, s13, s12, $0x38;
	[tilespmem:$0x1C000] =	vst v63  }
0x14: {  	_ = 	snop  }
0x15: {  	[tilespmem:s13], [sflag:$0x1] =	stream.strided.gather [hbm4b:s8+s12], $0x4000, s13, s12, $0x38;
	[tilespmem:$0x1C000] =	vst v63  }
0x16: {  	_ = 	snop  }
0x17: {  	[tilespmem:s15], [sflag:$0x1] =	stream.strided.gather [hbm4b:s9+s12], $0x4000, s13, s12, $0x38;
	[tilespmem:$0x1C000] =	vst v63  }
0x18: {  	s20 =	simm.s32 $0xA00;
	s21 =	simm.s32 $0x0  }
0x19: {  	[tilespmem:s16], [sflag:$0x1] =	stream.strided.gather [hbm4b:s10+s12], $0x4000, s13, s12, $0x38;
	[tilespmem:$0x1C000] =	vst v63  }
.LBB2_2:
0x1a: {  	s22 =	smul.u32 $0x25, s21;
	_ =	sdelay $0x1  }
0x1b: {  	s22 =	sshrl.u32 s22, $0x8  }
0x1c: {  	s23 =	ssub.s32 s21, s22  }
0x1d: {  	s23 =	sand.u32 $0xFE, s23  }
0x1e: {  	s23 =	sshrl.u32 s23, $0x1  }
0x1f: {  	s22 =	sadd.s32 s22, s23  }
0x20: {  	s22 =	sand.u32 $0xFC, s22  }
0x21: {  	s22 =	sshrl.u32 s22, $0x2  }
0x22: {  	_ =	swait.ge [sflag:s17], $0x4000;
	s31 =	sshrl.u32 s21, $0x2;
	s22 =	smul.u32 $0x7, s22  }
0x23: {  	s24 =	sadd.s32 $0xFFFFF600, s20;
	p0 =	slt.u32 s21, $0x2;
	[sflag:s17] =	ssyncset.done $0x0  }
0x24: {  	s24 =	sand.u32 $0x600, s24;
	s23 =	sadd.s32 s3, s31;
	s22 =	ssub.s32 s21, s22  }
0x25: {  	s24 =	sadd.s32 s2, s24;
	s23 =	sshll.u32 s23, $0xD;
	s22 =	sand.u32 $0xFF, s22  }
0x26: {  	[sflag:s17] =	ssyncadd.s32 $0xFFFFC000;
	s23 =	sadd.s32 s23, s24;
	s22 =	sshll.u32 s22, $0xE  }
0x27: {  	[hbm4b:s23+s12] =	stream.strided.scatter [tilespmem:s22], [sflag:$0x2], $0x4000, s14, s12, $0x38;
	[tilespmem:$0x1C000] =	vst v63  }
0x28: {  	s22 =	simm.s32 @!p0 $0x2  }
0x29: {  	p1 =	sgt.u32 @!p0 s21, $0xFA;
	_ =	swait.ge @!p0 [sflag:s22], $0x4000  }
0x2a: {  	p1 =	por p0, !p1;
	[sflag:s22] =	ssyncset.done @!p0 $0x0  }
0x2b: {  	[sflag:s22] =	ssyncadd.s32 @!p0 $0xFFFFC000;
	s22 =	sadd.s32 @p1 $0x5, s21  }
0x2c: {  	s23 =	smul.u32 @p1 $0x25, s22;
	_ =	sdelay $0x1  }
0x2d: {  	s23 =	sshrl.u32 @p1 s23, $0x8  }
0x2e: {  	s24 =	ssub.s32 @p1 s22, s23  }
0x2f: {  	s24 =	sand.u32 @p1 $0xFE, s24  }
0x30: {  	s24 =	sshrl.u32 @p1 s24, $0x1  }
0x31: {  	s23 =	sadd.s32 @p1 s23, s24;
	s24 =	sshrl.u32 @p1 s22, $0x2  }
0x32: {  	s25 =	sand.u32 @p1 $0x600, s20;
	s23 =	sand.u32 @p1 $0xFC, s23;
	s24 =	sadd.s32 @p1 s24, s3  }
0x33: {  	s21 =	sadd.s32 $0x1, s21;
	s23 =	sshrl.u32 @p1 s23, $0x2;
	s24 =	ssub.s32 @p1 $0x800, s24  }
0x34: {  	p0 =	sne.s32 s21, $0x100;
	s23 =	smul.u32 @p1 $0x7, s23;
	s26 =	sshll.u32 @p1 s24, $0xE  }
.Ltmp0:
0x35: {  	s24 =	sadd.s32 @p1 s25, s24;
	s25 =	sand.u32 @p1 $0x1FC000, s26;
	(pc) =	sbr.rel @p0 .LBB2_2-.Ltmp0, $4  }
0x36: {  	s22 =	ssub.s32 @p1 s22, s23;
	s23 =	sadd.s32 @p1 s25, s24  }
0x37: {  	s22 =	sand.u32 @p1 $0xFF, s22;
	s23 =	sand.u32 @p1 $0x1FFFFF80, s23  }
0x38: {  	s20 =	sadd.s32 $0x200, s20;
	s22 =	sshll.u32 @p1 s22, $0xE;
	s23 =	sadd.s32 @p1 s5, s23  }
0x39: {  	[tilespmem:s22], [sflag:$0x1] =	stream.strided.gather @p1 [hbm4b:s23+s12], $0x4000, s13, s12, $0x38;
	[tilespmem:$0x1C000] =	vst v63  }
0x3a: {  	s19 =	sadd.s32 $0x1, s19  }
0x3b: {  	_ =	swait.ge [sflag:s18], $0x4000;
	p0 =	sne.s32 s19, s11  }
.Ltmp1:
0x3c: {  	[sflag:s18] =	ssyncset.done $0x0;
	(pc) =	sbr.rel @p0 .LBB2_1-.Ltmp1, $4  }
0x3d: {  	[sflag:s18] =	ssyncadd.s32 $0xFFFFC000  }
0x3e: {  	_ =	swait.ge [sflag:s18], $0x4000  }
0x3f: {  	[sflag:s18] =	ssyncset.done $0x0  }
0x40: {  	[sflag:s18] =	ssyncadd.s32 $0xFFFFC000  }
0x41: {  	_ =	sfence.sel $0x180000  }
0x42: {  	[bflag:$0x0] =	sbarrier.arrive $0xFFFF  }
0x43: {  	p0 =	sne.s32 s0, $0x0;
	_ =	strace $0x90000047  }
0x44: {  	s0 =	sadd.s32 @!p0 $0x100000, s1;
	[bflag:$0x2] =	sbarrier.arrive $0xFFFF  }
0x45: {  	[sflag:s0] =	ssyncadd.tile.s32 @!p0 $0x1;
	_ =	shalt  }
.Lfunc_end2:
_tile_overlayer_lowered:
.L_overlay_start_2:
0x46: {  	(tag) =	ssettag $0x2  }
0x47: {  	s0 =	rddreg [dreg:$0x0];
	s2 =	stileid.u32  }
0x48: {  	s1 =	rddreg [dreg:$0x1];
	p0 =	sne.s32 s2, $0x0  }
0x49: {  	s3 =	rddreg [dreg:$0x2];
	[bflag:$0x3] =	sbarrier.arrive $0xFFFF;
	s2 =	simm.s32 @!p0 $0x1C03  }
0x4a: {  	[timem:s3], [sflag:s2] =	dma.local @!p0 [hbm:s0], s1  }
0x4b: {  	s0 =	simm.s32 @!p0 $0x3  }
0x4c: {  	_ =	swait.ge @!p0 [sflag:s0], s1  }
0x4d: {  	s1 =	ssub.s32 @!p0 $0x0, s1;
	[sflag:s0] =	ssyncset.done @!p0 $0x0  }
0x4e: {  	[sflag:s0] =	ssyncadd.s32 @!p0 s1  }
0x4f: {  	[bflag:$0x3] =	sbarrier.arrive $0xFFFF  }
0x50: {  	_ =	shalt  }

</sc_bundles>
